<compile_context>
chip_gen: v7x
topology: tpu7x:2x2x1
jax: 0.10.2.dev20260603
libtpu: 0.0.44.dev20260713+nightly
codegen_flags: <defaults>
</compile_context>

<pallas_src>
import functools

import jax
import jax.numpy as jnp
from jax import lax
from jax.experimental import pallas as pl
from jax.experimental.pallas import tpu as pltpu
from jax.experimental.pallas import tpu_sc as plsc

N = 10000
E = 320000
D = 128
L = 3
NC = 2
NS = 16
NW = NC * NS
CH = 80
NCHUNK = 125
PER_TILE = NCHUNK * CH
ROWS_PER_TILE = 632
NP = NS * ROWS_PER_TILE
DEG_W = 128

@functools.lru_cache(maxsize=None)
def _make_sc_agg(width):

    @functools.partial(
        pl.kernel,
        mesh=plsc.VectorSubcoreMesh(core_axis_name="c", subcore_axis_name="s"),
        out_type=jax.ShapeDtypeStruct((NC * NP, width), jnp.float32),
        scratch_types=[
            pltpu.VMEM((NCHUNK, CH), jnp.int32),
            pltpu.VMEM((NCHUNK, CH), jnp.int32),
            pltpu.VMEM((CH, width), jnp.float32),
            pltpu.VMEM_SHARED((NP, width), jnp.float32),
            pltpu.SemaphoreType.DMA,
        ],
    )
    def sc_agg(src_hbm, dst_hbm, table_hbm, zeros_hbm, out_hbm,
               src_v, dst_v, rows_v, acc, sem):
        cid = lax.axis_index("c")
        sid = lax.axis_index("s")
        tid = cid * NS + sid
        r0 = sid * ROWS_PER_TILE
        pltpu.sync_copy(zeros_hbm.at[pl.ds(r0, ROWS_PER_TILE)],
                        acc.at[pl.ds(r0, ROWS_PER_TILE)])
        pltpu.sync_copy(src_hbm.at[tid], src_v)
        pltpu.sync_copy(dst_hbm.at[tid], dst_v)
        plsc.subcore_barrier()

        def body(j, carry):
            pltpu.async_copy(table_hbm.at[src_v.at[j]], rows_v, sem).wait()
            pltpu.sync_copy(rows_v, acc.at[dst_v.at[j]], add=True)
            return carry

        lax.fori_loop(0, NCHUNK, body, 0)
        plsc.subcore_barrier()
        pltpu.sync_copy(acc.at[pl.ds(r0, ROWS_PER_TILE)],
                        out_hbm.at[pl.ds(cid * NP + r0, ROWS_PER_TILE)])

    return sc_agg


@functools.lru_cache(maxsize=None)
def _make_sc_deg():
    @functools.partial(
        pl.kernel,
        mesh=plsc.VectorSubcoreMesh(core_axis_name="c", subcore_axis_name="s"),
        out_type=jax.ShapeDtypeStruct((NC * NP, DEG_W), jnp.float32),
        scratch_types=[
            pltpu.VMEM((NCHUNK, CH), jnp.int32),
            pltpu.VMEM((CH, DEG_W), jnp.float32),
            pltpu.VMEM_SHARED((NP, DEG_W), jnp.float32),
            pltpu.SemaphoreType.DMA,
        ],
    )
    def sc_deg(dst_hbm, ones_hbm, zeros_hbm, out_hbm, dst_v, ones_v, acc,
               sem):
        cid = lax.axis_index("c")
        sid = lax.axis_index("s")
        tid = cid * NS + sid
        r0 = sid * ROWS_PER_TILE
        pltpu.sync_copy(zeros_hbm.at[pl.ds(r0, ROWS_PER_TILE)],
                        acc.at[pl.ds(r0, ROWS_PER_TILE)])
        pltpu.sync_copy(ones_hbm, ones_v)
        pltpu.sync_copy(dst_hbm.at[tid], dst_v)
        plsc.subcore_barrier()

        def body(j, carry):
            jg = jnp.minimum(j, NCHUNK - 1)

            @pl.when(j < NCHUNK)
            def _():
                pltpu.async_copy(ones_v, acc.at[dst_v.at[jg]], sem,
                                 add=True)

            @pl.when(j > 0)
            def _():
                pltpu.make_async_copy(
                    ones_v, acc.at[dst_v.at[jg]], sem).wait()

            return carry

        lax.fori_loop(0, NCHUNK + 1, body, 0)
        plsc.subcore_barrier()
        pltpu.sync_copy(acc.at[pl.ds(r0, ROWS_PER_TILE)],
                        out_hbm.at[pl.ds(cid * NP + r0, ROWS_PER_TILE)])

    return sc_deg


def _tc_emb_body(h_ref, w_ref, b_ref, o_ref):
    o_ref[...] = jnp.dot(h_ref[...], w_ref[...],
                         preferred_element_type=jnp.float32) + b_ref[...]


def _tc_layer_body(x_ref, s_ref, degp_ref, w_ref, b_ref, g_ref, bet_ref,
                   o_ref):
    x = x_ref[...]
    s = s_ref[0:N] + s_ref[NP:NP + N]
    dp = degp_ref[0:N] + degp_ref[NP:NP + N]
    inv = 1.0 / jnp.maximum(dp, 1.0)
    w = w_ref[...]
    bundle = (jnp.dot(x, w[0:D], preferred_element_type=jnp.float32)
              + jnp.dot(s * inv, w[D:2 * D],
                        preferred_element_type=jnp.float32)
              + b_ref[...])
    nrm = jnp.sqrt(jnp.sum(bundle * bundle, axis=1, keepdims=True))
    bundle = bundle / jnp.maximum(nrm, 1e-12)
    y = jnp.maximum(bundle, 0.0)
    mean = jnp.mean(y, axis=0, keepdims=True)
    var = jnp.mean((y - mean) ** 2, axis=0, keepdims=True)
    o_ref[...] = x + (y - mean) * lax.rsqrt(var + 1e-5) * g_ref[...] \
        + bet_ref[...]


@functools.lru_cache(maxsize=None)
def _make_tc():
    tc_emb = pl.pallas_call(
        _tc_emb_body,
        out_shape=jax.ShapeDtypeStruct((N, D), jnp.float32),
    )
    tc_layer = pl.pallas_call(
        _tc_layer_body,
        out_shape=jax.ShapeDtypeStruct((N, D), jnp.float32),
    )
    return tc_emb, tc_layer


def kernel(h, e, edge_index, W_emb, b_emb, Ws, bs, gammas, betas):
    pad = PER_TILE - E // NW
    src = edge_index[0].astype(jnp.int32).reshape(NW, E // NW)
    dst = edge_index[1].astype(jnp.int32).reshape(NW, E // NW)
    src = jnp.pad(src, ((0, 0), (0, pad))).reshape(NW, NCHUNK, CH)
    dst = jnp.pad(dst, ((0, 0), (0, pad)),
                  constant_values=N).reshape(NW, NCHUNK, CH)
    zeros_g = jnp.zeros((NP, DEG_W), jnp.float32)
    ones_g = jnp.ones((CH, DEG_W), jnp.float32)
    sc_agg_rows = _make_sc_agg(D)
    sc_deg = _make_sc_deg()
    tc_emb, tc_layer = _make_tc()
    degp = sc_deg(dst, ones_g, zeros_g)
    x = tc_emb(h, W_emb, b_emb[None, :])
    zeros_d = degp[0:NP] * 0.0
    for l in range(L):
        s = sc_agg_rows(src, dst, x, zeros_d)
        x = tc_layer(x, s, degp, Ws[l], bs[l][None, :],
                     gammas[l][None, :], betas[l][None, :])
    return x

# --- scband reference (transcript-rebuilt; emitter-appended) ---
"""Pipeline reference for scband-graph-sage-net-80633716015161 (READ-ONLY COPY).

The authoritative reference and input builder live on the scoring server;
editing this copy changes nothing except your own understanding.
"""

import jax, jax.numpy as jnp
import numpy as np

N_NODES = 10000
N_EDGES = 320000
D = 128
D_EDGE = 4
L = 3


def setup_inputs(seed: int = 0) -> dict:
    key = jax.random.key(seed)
    ks = jax.random.split(key, 8)
    h = jax.random.normal(ks[0], (N_NODES, D), dtype=jnp.float32)
    e = jax.random.normal(ks[1], (N_EDGES, D_EDGE), dtype=jnp.float32)
    edge_index = jax.random.randint(ks[2], (2, N_EDGES), 0, N_NODES)
    # embedding_h: Linear(in_dim=128 -> hidden_dim=128)
    W_emb = jax.random.normal(ks[3], (D, D), dtype=jnp.float32) * (1.0 / np.sqrt(D))
    b_emb = jnp.zeros((D,), dtype=jnp.float32)
    # L GraphSage layers (isotropic, mean aggregator): NodeApply Linear(2*D -> D)
    Ws = jax.random.normal(ks[4], (L, 2 * D, D), dtype=jnp.float32) * (1.0 / np.sqrt(2 * D))
    bs = jnp.zeros((L, D), dtype=jnp.float32)
    gammas = jnp.ones((L, D), dtype=jnp.float32)
    betas = jnp.zeros((L, D), dtype=jnp.float32)
    return {"h": h, "e": e, "edge_index": edge_index, "W_emb": W_emb, "b_emb": b_emb,
            "Ws": Ws, "bs": bs, "gammas": gammas, "betas": betas}


def reference(h, e, edge_index, W_emb, b_emb, Ws, bs, gammas, betas):
    # e is unused for layer_type='isotropic' (kept for signature fidelity)
    src = edge_index[0]
    dst = edge_index[1]
    N = h.shape[0]
    deg = jax.ops.segment_sum(jnp.ones((src.shape[0],), jnp.float32), dst, num_segments=N)
    deg = jnp.maximum(deg, 1.0)
    # embedding_h (dropout p=0 -> identity)
    x = h @ W_emb + b_emb
    n_layers = Ws.shape[0]
    for l in range(n_layers):
        x_in = x
        # mean aggregator over incoming edges: copy_src -> mean
        msg = x[src]
        c = jax.ops.segment_sum(msg, dst, num_segments=N) / deg[:, None]
        # NodeApply: Linear(cat(h, c)), l2-normalize, relu
        bundle = jnp.concatenate([x, c], axis=1) @ Ws[l] + bs[l]
        nrm = jnp.sqrt(jnp.sum(bundle * bundle, axis=1, keepdims=True))
        bundle = bundle / jnp.maximum(nrm, 1e-12)
        x = jax.nn.relu(bundle)
        # BatchNorm1d (training mode: batch statistics)
        mean = jnp.mean(x, axis=0)
        var = jnp.var(x, axis=0)
        x = (x - mean) / jnp.sqrt(var + 1e-5) * gammas[l] + betas[l]
        # residual (in_feats == out_feats)
        x = x_in + x
    return x

if __name__ == "__main__":
    import jax
    _d = setup_inputs()
    print(jax.jit(kernel)(*tuple(_d.values())))

</pallas_src>

<mosaic_0001>
#map = affine_map<(d0, d1) -> (0, 0, 0)>
#map1 = affine_map<(d0, d1) -> (0, 0)>
module attributes {stable_mosaic.version = 14 : i64} {
  func.func @sc_agg(%arg0: i32, %arg1: i32, %arg2: memref<32x125x80xi32, #tpu.memory_space<hbm>>, %arg3: memref<32x125x80xi32, #tpu.memory_space<hbm>>, %arg4: memref<10000x128xf32, #tpu.memory_space<hbm>>, %arg5: memref<10112x128xf32, #tpu.memory_space<hbm>>, %arg6: memref<20224x128xf32, #tpu.memory_space<hbm>>, %arg7: memref<125x80xi32, #tpu.memory_space<vmem>>, %arg8: memref<125x80xi32, #tpu.memory_space<vmem>>, %arg9: memref<80x128xf32, #tpu.memory_space<vmem>>, %arg10: memref<10112x128xf32, #tpu.memory_space<vmem_shared>>, %arg11: memref<!tpu.dma_semaphore, #tpu.memory_space<semaphore_mem>>) attributes {dimension_semantics = [#tpu.dimension_semantics<core_parallel>, #tpu.dimension_semantics<subcore_parallel>], iteration_bounds = array<i64: 2, 16>, scalar_prefetch = 0 : i64, scratch_operands = 5 : i64, tpu.core_type = #tpu.core_type<sc_vector_subcore>, window_params = [{transform_indices = #map}, {transform_indices = #map}, {transform_indices = #map1}, {transform_indices = #map1}, {transform_indices = #map1}]} {
    %mul3A = arith.constant 16 : i32
    %mul3A_0 = arith.muli %arg0, %mul3A : i32
    %add3A = arith.addi %mul3A_0, %arg1 : i32
    %mul3A_1 = arith.constant 632 : i32
    %mul3A_2 = arith.muli %arg1, %mul3A_1 : i32
    "tpu.region"() ({
      %run_scoped3A = tpu.sem_alloc : memref<!tpu.dma_semaphore, #tpu.memory_space<semaphore_mem>>
      %dma_start3A = arith.constant 0 : i32
      %dma_start3A_12 = tpu.memref_slice %arg10[%mul3A_2, %dma_start3A] : memref<10112x128xf32, #tpu.memory_space<vmem_shared>> -> memref<632x128xf32, #tpu.memory_space<vmem_shared>>
      %dma_start3A_13 = arith.constant 0 : i32
      %dma_start3A_14 = tpu.memref_slice %arg5[%mul3A_2, %dma_start3A_13] : memref<10112x128xf32, #tpu.memory_space<hbm>> -> memref<632x128xf32, #tpu.memory_space<hbm>>
      tpu.enqueue_dma source(%dma_start3A_14 : memref<632x128xf32, #tpu.memory_space<hbm>>) target(%dma_start3A_12 : memref<632x128xf32, #tpu.memory_space<vmem_shared>>) target_semaphore(%run_scoped3A : memref<!tpu.dma_semaphore, #tpu.memory_space<semaphore_mem>>)
      %dma_wait3A = arith.constant 0 : i32
      %dma_wait3A_15 = tpu.memref_slice %arg10[%mul3A_2, %dma_wait3A] : memref<10112x128xf32, #tpu.memory_space<vmem_shared>> -> memref<632x128xf32, #tpu.memory_space<vmem_shared>>
      %dma_wait3A_16 = arith.constant 0 : i32
      %dma_wait3A_17 = tpu.memref_slice %arg5[%mul3A_2, %dma_wait3A_16] : memref<10112x128xf32, #tpu.memory_space<hbm>> -> memref<632x128xf32, #tpu.memory_space<hbm>>
      tpu.wait_dma2 semaphore(%run_scoped3A : memref<!tpu.dma_semaphore, #tpu.memory_space<semaphore_mem>>) src(%dma_wait3A_17 : memref<632x128xf32, #tpu.memory_space<hbm>>) dst(%dma_wait3A_15 : memref<632x128xf32, #tpu.memory_space<vmem_shared>>)
      tpu.yield
    }) : () -> ()
    "tpu.region"() ({
      %run_scoped3A = tpu.sem_alloc : memref<!tpu.dma_semaphore, #tpu.memory_space<semaphore_mem>>
      %dma_start3A = arith.constant 0 : i32
      %dma_start3A_12 = arith.constant 0 : i32
      %dma_start3A_13 = tpu.memref_slice %arg2[%add3A, %dma_start3A, %dma_start3A_12] : memref<32x125x80xi32, #tpu.memory_space<hbm>> -> memref<1x125x80xi32, #tpu.memory_space<hbm>>
      %dma_start3A_14 = tpu.memref_squeeze %dma_start3A_13 : memref<1x125x80xi32, #tpu.memory_space<hbm>> -> memref<125x80xi32, #tpu.memory_space<hbm>>
      %dma_start3A_15 = arith.constant 0 : i32
      %dma_start3A_16 = arith.constant 0 : i32
      %dma_start3A_17 = tpu.memref_slice %arg2[%add3A, %dma_start3A_15, %dma_start3A_16] : memref<32x125x80xi32, #tpu.memory_space<hbm>> -> memref<1x125x80xi32, #tpu.memory_space<hbm>>
      %dma_start3A_18 = tpu.memref_squeeze %dma_start3A_17 : memref<1x125x80xi32, #tpu.memory_space<hbm>> -> memref<125x80xi32, #tpu.memory_space<hbm>>
      tpu.enqueue_dma source(%dma_start3A_18 : memref<125x80xi32, #tpu.memory_space<hbm>>) target(%arg7 : memref<125x80xi32, #tpu.memory_space<vmem>>) target_semaphore(%run_scoped3A : memref<!tpu.dma_semaphore, #tpu.memory_space<semaphore_mem>>)
      %dma_wait3A = arith.constant 0 : i32
      %dma_wait3A_19 = arith.constant 0 : i32
      %dma_wait3A_20 = tpu.memref_slice %arg2[%add3A, %dma_wait3A, %dma_wait3A_19] : memref<32x125x80xi32, #tpu.memory_space<hbm>> -> memref<1x125x80xi32, #tpu.memory_space<hbm>>
      %dma_wait3A_21 = tpu.memref_squeeze %dma_wait3A_20 : memref<1x125x80xi32, #tpu.memory_space<hbm>> -> memref<125x80xi32, #tpu.memory_space<hbm>>
      %dma_wait3A_22 = arith.constant 0 : i32
      %dma_wait3A_23 = arith.constant 0 : i32
      %dma_wait3A_24 = tpu.memref_slice %arg2[%add3A, %dma_wait3A_22, %dma_wait3A_23] : memref<32x125x80xi32, #tpu.memory_space<hbm>> -> memref<1x125x80xi32, #tpu.memory_space<hbm>>
      %dma_wait3A_25 = tpu.memref_squeeze %dma_wait3A_24 : memref<1x125x80xi32, #tpu.memory_space<hbm>> -> memref<125x80xi32, #tpu.memory_space<hbm>>
      tpu.wait_dma2 semaphore(%run_scoped3A : memref<!tpu.dma_semaphore, #tpu.memory_space<semaphore_mem>>) src(%dma_wait3A_25 : memref<125x80xi32, #tpu.memory_space<hbm>>) dst(%arg7 : memref<125x80xi32, #tpu.memory_space<vmem>>)
      tpu.yield
    }) : () -> ()
    "tpu.region"() ({
      %run_scoped3A = tpu.sem_alloc : memref<!tpu.dma_semaphore, #tpu.memory_space<semaphore_mem>>
      %dma_start3A = arith.constant 0 : i32
      %dma_start3A_12 = arith.constant 0 : i32
      %dma_start3A_13 = tpu.memref_slice %arg3[%add3A, %dma_start3A, %dma_start3A_12] : memref<32x125x80xi32, #tpu.memory_space<hbm>> -> memref<1x125x80xi32, #tpu.memory_space<hbm>>
      %dma_start3A_14 = tpu.memref_squeeze %dma_start3A_13 : memref<1x125x80xi32, #tpu.memory_space<hbm>> -> memref<125x80xi32, #tpu.memory_space<hbm>>
      %dma_start3A_15 = arith.constant 0 : i32
      %dma_start3A_16 = arith.constant 0 : i32
      %dma_start3A_17 = tpu.memref_slice %arg3[%add3A, %dma_start3A_15, %dma_start3A_16] : memref<32x125x80xi32, #tpu.memory_space<hbm>> -> memref<1x125x80xi32, #tpu.memory_space<hbm>>
      %dma_start3A_18 = tpu.memref_squeeze %dma_start3A_17 : memref<1x125x80xi32, #tpu.memory_space<hbm>> -> memref<125x80xi32, #tpu.memory_space<hbm>>
      tpu.enqueue_dma source(%dma_start3A_18 : memref<125x80xi32, #tpu.memory_space<hbm>>) target(%arg8 : memref<125x80xi32, #tpu.memory_space<vmem>>) target_semaphore(%run_scoped3A : memref<!tpu.dma_semaphore, #tpu.memory_space<semaphore_mem>>)
      %dma_wait3A = arith.constant 0 : i32
      %dma_wait3A_19 = arith.constant 0 : i32
      %dma_wait3A_20 = tpu.memref_slice %arg3[%add3A, %dma_wait3A, %dma_wait3A_19] : memref<32x125x80xi32, #tpu.memory_space<hbm>> -> memref<1x125x80xi32, #tpu.memory_space<hbm>>
      %dma_wait3A_21 = tpu.memref_squeeze %dma_wait3A_20 : memref<1x125x80xi32, #tpu.memory_space<hbm>> -> memref<125x80xi32, #tpu.memory_space<hbm>>
      %dma_wait3A_22 = arith.constant 0 : i32
      %dma_wait3A_23 = arith.constant 0 : i32
      %dma_wait3A_24 = tpu.memref_slice %arg3[%add3A, %dma_wait3A_22, %dma_wait3A_23] : memref<32x125x80xi32, #tpu.memory_space<hbm>> -> memref<1x125x80xi32, #tpu.memory_space<hbm>>
      %dma_wait3A_25 = tpu.memref_squeeze %dma_wait3A_24 : memref<1x125x80xi32, #tpu.memory_space<hbm>> -> memref<125x80xi32, #tpu.memory_space<hbm>>
      tpu.wait_dma2 semaphore(%run_scoped3A : memref<!tpu.dma_semaphore, #tpu.memory_space<semaphore_mem>>) src(%dma_wait3A_25 : memref<125x80xi32, #tpu.memory_space<hbm>>) dst(%arg8 : memref<125x80xi32, #tpu.memory_space<vmem>>)
      tpu.yield
    }) : () -> ()
    %barrier3A = arith.constant 0 : index
    tpu.barrier barrier_id(%barrier3A)
    %scan3A = arith.constant 0 : i32
    %scan3A_3 = arith.constant 0 : i32
    %scan3A_4 = arith.constant 125 : i32
    %scan3A_5 = arith.addi %scan3A_3, %scan3A_4 : i32
    %scan3A_6 = arith.constant 1 : i32
    scf.for %scan3A_12 = %scan3A_3 to %scan3A_5 step %scan3A_6  : i32 {
      %dma_start3A = arith.constant 0 : i32
      %dma_start3A_13 = tpu.memref_slice %arg7[%scan3A_12, %dma_start3A] : memref<125x80xi32, #tpu.memory_space<vmem>> -> memref<1x80xi32, #tpu.memory_space<vmem>>
      %dma_start3A_14 = tpu.memref_squeeze %dma_start3A_13 : memref<1x80xi32, #tpu.memory_space<vmem>> -> memref<80xi32, #tpu.memory_space<vmem>>
      %dma_start3A_15 = arith.constant 0 : i32
      %dma_start3A_16 = arith.constant 0 : i32
      %dma_start3A_17 = tpu.memref_slice %arg4[%dma_start3A_15, %dma_start3A_16] : memref<10000x128xf32, #tpu.memory_space<hbm>> -> memref<10000x128xf32, #tpu.memory_space<hbm>>
      tpu.enqueue_indirect_dma source(%dma_start3A_17 : memref<10000x128xf32, #tpu.memory_space<hbm>>) target(%arg9 : memref<80x128xf32, #tpu.memory_space<vmem>>) offsets(%dma_start3A_14 : memref<80xi32, #tpu.memory_space<vmem>>) semaphore(%arg11 : memref<!tpu.dma_semaphore, #tpu.memory_space<semaphore_mem>>)
      %dma_wait3A = arith.constant 0 : i32
      %dma_wait3A_18 = tpu.memref_slice %arg7[%scan3A_12, %dma_wait3A] : memref<125x80xi32, #tpu.memory_space<vmem>> -> memref<1x80xi32, #tpu.memory_space<vmem>>
      %dma_wait3A_19 = tpu.memref_squeeze %dma_wait3A_18 : memref<1x80xi32, #tpu.memory_space<vmem>> -> memref<80xi32, #tpu.memory_space<vmem>>
      %dma_wait3A_20 = arith.constant 0 : i32
      %dma_wait3A_21 = arith.constant 0 : i32
      %dma_wait3A_22 = tpu.memref_slice %arg4[%dma_wait3A_20, %dma_wait3A_21] : memref<10000x128xf32, #tpu.memory_space<hbm>> -> memref<10000x128xf32, #tpu.memory_space<hbm>>
      tpu.wait_indirect_dma semaphore(%arg11 : memref<!tpu.dma_semaphore, #tpu.memory_space<semaphore_mem>>) src(%dma_wait3A_22 : memref<10000x128xf32, #tpu.memory_space<hbm>>) dst(%arg9 : memref<80x128xf32, #tpu.memory_space<vmem>>)
      "tpu.region"() ({
        %run_scoped3A = tpu.sem_alloc : memref<!tpu.dma_semaphore, #tpu.memory_space<semaphore_mem>>
        %dma_start3A_23 = arith.constant 0 : i32
        %dma_start3A_24 = tpu.memref_slice %arg8[%scan3A_12, %dma_start3A_23] : memref<125x80xi32, #tpu.memory_space<vmem>> -> memref<1x80xi32, #tpu.memory_space<vmem>>
        %dma_start3A_25 = tpu.memref_squeeze %dma_start3A_24 : memref<1x80xi32, #tpu.memory_space<vmem>> -> memref<80xi32, #tpu.memory_space<vmem>>
        %dma_start3A_26 = arith.constant 0 : i32
        %dma_start3A_27 = arith.constant 0 : i32
        %dma_start3A_28 = tpu.memref_slice %arg10[%dma_start3A_26, %dma_start3A_27] : memref<10112x128xf32, #tpu.memory_space<vmem_shared>> -> memref<10112x128xf32, #tpu.memory_space<vmem_shared>>
        tpu.enqueue_indirect_dma source(%arg9 : memref<80x128xf32, #tpu.memory_space<vmem>>) target(%dma_start3A_28 : memref<10112x128xf32, #tpu.memory_space<vmem_shared>>) offsets(%dma_start3A_25 : memref<80xi32, #tpu.memory_space<vmem>>) semaphore(%run_scoped3A : memref<!tpu.dma_semaphore, #tpu.memory_space<semaphore_mem>>) {add = true}
        %dma_wait3A_29 = arith.constant 0 : i32
        %dma_wait3A_30 = tpu.memref_slice %arg8[%scan3A_12, %dma_wait3A_29] : memref<125x80xi32, #tpu.memory_space<vmem>> -> memref<1x80xi32, #tpu.memory_space<vmem>>
        %dma_wait3A_31 = tpu.memref_squeeze %dma_wait3A_30 : memref<1x80xi32, #tpu.memory_space<vmem>> -> memref<80xi32, #tpu.memory_space<vmem>>
        %dma_wait3A_32 = arith.constant 0 : i32
        %dma_wait3A_33 = arith.constant 0 : i32
        %dma_wait3A_34 = tpu.memref_slice %arg10[%dma_wait3A_32, %dma_wait3A_33] : memref<10112x128xf32, #tpu.memory_space<vmem_shared>> -> memref<10112x128xf32, #tpu.memory_space<vmem_shared>>
        tpu.wait_indirect_dma semaphore(%run_scoped3A : memref<!tpu.dma_semaphore, #tpu.memory_space<semaphore_mem>>) src(%arg9 : memref<80x128xf32, #tpu.memory_space<vmem>>) dst(%dma_wait3A_34 : memref<10112x128xf32, #tpu.memory_space<vmem_shared>>)
        tpu.yield
      }) : () -> ()
    }
    %scan3A_7 = arith.constant 125 : i32
    %barrier3A_8 = arith.constant 0 : index
    tpu.barrier barrier_id(%barrier3A_8)
    %mul3A_9 = arith.constant 10112 : i32
    %mul3A_10 = arith.muli %arg0, %mul3A_9 : i32
    %add3A_11 = arith.addi %mul3A_10, %mul3A_2 : i32
    "tpu.region"() ({
      %run_scoped3A = tpu.sem_alloc : memref<!tpu.dma_semaphore, #tpu.memory_space<semaphore_mem>>
      %dma_start3A = arith.constant 0 : i32
      %dma_start3A_12 = tpu.memref_slice %arg6[%add3A_11, %dma_start3A] : memref<20224x128xf32, #tpu.memory_space<hbm>> -> memref<632x128xf32, #tpu.memory_space<hbm>>
      %dma_start3A_13 = arith.constant 0 : i32
      %dma_start3A_14 = tpu.memref_slice %arg10[%mul3A_2, %dma_start3A_13] : memref<10112x128xf32, #tpu.memory_space<vmem_shared>> -> memref<632x128xf32, #tpu.memory_space<vmem_shared>>
      tpu.enqueue_dma source(%dma_start3A_14 : memref<632x128xf32, #tpu.memory_space<vmem_shared>>) target(%dma_start3A_12 : memref<632x128xf32, #tpu.memory_space<hbm>>) target_semaphore(%run_scoped3A : memref<!tpu.dma_semaphore, #tpu.memory_space<semaphore_mem>>)
      %dma_wait3A = arith.constant 0 : i32
      %dma_wait3A_15 = tpu.memref_slice %arg6[%add3A_11, %dma_wait3A] : memref<20224x128xf32, #tpu.memory_space<hbm>> -> memref<632x128xf32, #tpu.memory_space<hbm>>
      %dma_wait3A_16 = arith.constant 0 : i32
      %dma_wait3A_17 = tpu.memref_slice %arg10[%mul3A_2, %dma_wait3A_16] : memref<10112x128xf32, #tpu.memory_space<vmem_shared>> -> memref<632x128xf32, #tpu.memory_space<vmem_shared>>
      tpu.wait_dma2 semaphore(%run_scoped3A : memref<!tpu.dma_semaphore, #tpu.memory_space<semaphore_mem>>) src(%dma_wait3A_17 : memref<632x128xf32, #tpu.memory_space<vmem_shared>>) dst(%dma_wait3A_15 : memref<632x128xf32, #tpu.memory_space<hbm>>)
      tpu.yield
    }) : () -> ()
    return
  }
}

#map = affine_map<(d0, d1) -> (0, 0, 0)>
#map1 = affine_map<(d0, d1) -> (0, 0)>
module attributes {stable_mosaic.version = 14 : i64} {
  func.func @sc_agg(%arg0: i32, %arg1: i32, %arg2: memref<32x125x80xi32, #tpu.memory_space<hbm>>, %arg3: memref<32x125x80xi32, #tpu.memory_space<hbm>>, %arg4: memref<10000x128xf32, #tpu.memory_space<hbm>>, %arg5: memref<10112x128xf32, #tpu.memory_space<hbm>>, %arg6: memref<20224x128xf32, #tpu.memory_space<hbm>>, %arg7: memref<125x80xi32, #tpu.memory_space<vmem>>, %arg8: memref<125x80xi32, #tpu.memory_space<vmem>>, %arg9: memref<80x128xf32, #tpu.memory_space<vmem>>, %arg10: memref<10112x128xf32, #tpu.memory_space<vmem_shared>>, %arg11: memref<!tpu.dma_semaphore, #tpu.memory_space<semaphore_mem>>) attributes {dimension_semantics = [#tpu.dimension_semantics<core_parallel>, #tpu.dimension_semantics<subcore_parallel>], iteration_bounds = array<i64: 2, 16>, scalar_prefetch = 0 : i64, scratch_operands = 5 : i64, tpu.core_type = #tpu.core_type<sc_vector_subcore>, window_params = [{transform_indices = #map}, {transform_indices = #map}, {transform_indices = #map1}, {transform_indices = #map1}, {transform_indices = #map1}]} {
    %mul3A = arith.constant 16 : i32
    %mul3A_0 = arith.muli %arg0, %mul3A : i32
    %add3A = arith.addi %mul3A_0, %arg1 : i32
    %mul3A_1 = arith.constant 632 : i32
    %mul3A_2 = arith.muli %arg1, %mul3A_1 : i32
    "tpu.region"() ({
      %run_scoped3A = tpu.sem_alloc : memref<!tpu.dma_semaphore, #tpu.memory_space<semaphore_mem>>
      %dma_start3A = arith.constant 0 : i32
      %dma_start3A_12 = tpu.memref_slice %arg10[%mul3A_2, %dma_start3A] : memref<10112x128xf32, #tpu.memory_space<vmem_shared>> -> memref<632x128xf32, #tpu.memory_space<vmem_shared>>
      %dma_start3A_13 = arith.constant 0 : i32
      %dma_start3A_14 = tpu.memref_slice %arg5[%mul3A_2, %dma_start3A_13] : memref<10112x128xf32, #tpu.memory_space<hbm>> -> memref<632x128xf32, #tpu.memory_space<hbm>>
      tpu.enqueue_dma source(%dma_start3A_14 : memref<632x128xf32, #tpu.memory_space<hbm>>) target(%dma_start3A_12 : memref<632x128xf32, #tpu.memory_space<vmem_shared>>) target_semaphore(%run_scoped3A : memref<!tpu.dma_semaphore, #tpu.memory_space<semaphore_mem>>)
      %dma_wait3A = arith.constant 0 : i32
      %dma_wait3A_15 = tpu.memref_slice %arg10[%mul3A_2, %dma_wait3A] : memref<10112x128xf32, #tpu.memory_space<vmem_shared>> -> memref<632x128xf32, #tpu.memory_space<vmem_shared>>
      %dma_wait3A_16 = arith.constant 0 : i32
      %dma_wait3A_17 = tpu.memref_slice %arg5[%mul3A_2, %dma_wait3A_16] : memref<10112x128xf32, #tpu.memory_space<hbm>> -> memref<632x128xf32, #tpu.memory_space<hbm>>
      tpu.wait_dma2 semaphore(%run_scoped3A : memref<!tpu.dma_semaphore, #tpu.memory_space<semaphore_mem>>) src(%dma_wait3A_17 : memref<632x128xf32, #tpu.memory_space<hbm>>) dst(%dma_wait3A_15 : memref<632x128xf32, #tpu.memory_space<vmem_shared>>)
      tpu.yield
    }) : () -> ()
    "tpu.region"() ({
      %run_scoped3A = tpu.sem_alloc : memref<!tpu.dma_semaphore, #tpu.memory_space<semaphore_mem>>
      %dma_start3A = arith.constant 0 : i32
      %dma_start3A_12 = arith.constant 0 : i32
      %dma_start3A_13 = tpu.memref_slice %arg2[%add3A, %dma_start3A, %dma_start3A_12] : memref<32x125x80xi32, #tpu.memory_space<hbm>> -> memref<1x125x80xi32, #tpu.memory_space<hbm>>
      %dma_start3A_14 = tpu.memref_squeeze %dma_start3A_13 : memref<1x125x80xi32, #tpu.memory_space<hbm>> -> memref<125x80xi32, #tpu.memory_space<hbm>>
      %dma_start3A_15 = arith.constant 0 : i32
      %dma_start3A_16 = arith.constant 0 : i32
      %dma_start3A_17 = tpu.memref_slice %arg2[%add3A, %dma_start3A_15, %dma_start3A_16] : memref<32x125x80xi32, #tpu.memory_space<hbm>> -> memref<1x125x80xi32, #tpu.memory_space<hbm>>
      %dma_start3A_18 = tpu.memref_squeeze %dma_start3A_17 : memref<1x125x80xi32, #tpu.memory_space<hbm>> -> memref<125x80xi32, #tpu.memory_space<hbm>>
      tpu.enqueue_dma source(%dma_start3A_18 : memref<125x80xi32, #tpu.memory_space<hbm>>) target(%arg7 : memref<125x80xi32, #tpu.memory_space<vmem>>) target_semaphore(%run_scoped3A : memref<!tpu.dma_semaphore, #tpu.memory_space<semaphore_mem>>)
      %dma_wait3A = arith.constant 0 : i32
      %dma_wait3A_19 = arith.constant 0 : i32
      %dma_wait3A_20 = tpu.memref_slice %arg2[%add3A, %dma_wait3A, %dma_wait3A_19] : memref<32x125x80xi32, #tpu.memory_space<hbm>> -> memref<1x125x80xi32, #tpu.memory_space<hbm>>
      %dma_wait3A_21 = tpu.memref_squeeze %dma_wait3A_20 : memref<1x125x80xi32, #tpu.memory_space<hbm>> -> memref<125x80xi32, #tpu.memory_space<hbm>>
      %dma_wait3A_22 = arith.constant 0 : i32
      %dma_wait3A_23 = arith.constant 0 : i32
      %dma_wait3A_24 = tpu.memref_slice %arg2[%add3A, %dma_wait3A_22, %dma_wait3A_23] : memref<32x125x80xi32, #tpu.memory_space<hbm>> -> memref<1x125x80xi32, #tpu.memory_space<hbm>>
      %dma_wait3A_25 = tpu.memref_squeeze %dma_wait3A_24 : memref<1x125x80xi32, #tpu.memory_space<hbm>> -> memref<125x80xi32, #tpu.memory_space<hbm>>
      tpu.wait_dma2 semaphore(%run_scoped3A : memref<!tpu.dma_semaphore, #tpu.memory_space<semaphore_mem>>) src(%dma_wait3A_25 : memref<125x80xi32, #tpu.memory_space<hbm>>) dst(%arg7 : memref<125x80xi32, #tpu.memory_space<vmem>>)
      tpu.yield
    }) : () -> ()
    "tpu.region"() ({
      %run_scoped3A = tpu.sem_alloc : memref<!tpu.dma_semaphore, #tpu.memory_space<semaphore_mem>>
      %dma_start3A = arith.constant 0 : i32
      %dma_start3A_12 = arith.constant 0 : i32
      %dma_start3A_13 = tpu.memref_slice %arg3[%add3A, %dma_start3A, %dma_start3A_12] : memref<32x125x80xi32, #tpu.memory_space<hbm>> -> memref<1x125x80xi32, #tpu.memory_space<hbm>>
      %dma_start3A_14 = tpu.memref_squeeze %dma_start3A_13 : memref<1x125x80xi32, #tpu.memory_space<hbm>> -> memref<125x80xi32, #tpu.memory_space<hbm>>
      %dma_start3A_15 = arith.constant 0 : i32
      %dma_start3A_16 = arith.constant 0 : i32
      %dma_start3A_17 = tpu.memref_slice %arg3[%add3A, %dma_start3A_15, %dma_start3A_16] : memref<32x125x80xi32, #tpu.memory_space<hbm>> -> memref<1x125x80xi32, #tpu.memory_space<hbm>>
      %dma_start3A_18 = tpu.memref_squeeze %dma_start3A_17 : memref<1x125x80xi32, #tpu.memory_space<hbm>> -> memref<125x80xi32, #tpu.memory_space<hbm>>
      tpu.enqueue_dma source(%dma_start3A_18 : memref<125x80xi32, #tpu.memory_space<hbm>>) target(%arg8 : memref<125x80xi32, #tpu.memory_space<vmem>>) target_semaphore(%run_scoped3A : memref<!tpu.dma_semaphore, #tpu.memory_space<semaphore_mem>>)
      %dma_wait3A = arith.constant 0 : i32
      %dma_wait3A_19 = arith.constant 0 : i32
      %dma_wait3A_20 = tpu.memref_slice %arg3[%add3A, %dma_wait3A, %dma_wait3A_19] : memref<32x125x80xi32, #tpu.memory_space<hbm>> -> memref<1x125x80xi32, #tpu.memory_space<hbm>>
      %dma_wait3A_21 = tpu.memref_squeeze %dma_wait3A_20 : memref<1x125x80xi32, #tpu.memory_space<hbm>> -> memref<125x80xi32, #tpu.memory_space<hbm>>
      %dma_wait3A_22 = arith.constant 0 : i32
      %dma_wait3A_23 = arith.constant 0 : i32
      %dma_wait3A_24 = tpu.memref_slice %arg3[%add3A, %dma_wait3A_22, %dma_wait3A_23] : memref<32x125x80xi32, #tpu.memory_space<hbm>> -> memref<1x125x80xi32, #tpu.memory_space<hbm>>
      %dma_wait3A_25 = tpu.memref_squeeze %dma_wait3A_24 : memref<1x125x80xi32, #tpu.memory_space<hbm>> -> memref<125x80xi32, #tpu.memory_space<hbm>>
      tpu.wait_dma2 semaphore(%run_scoped3A : memref<!tpu.dma_semaphore, #tpu.memory_space<semaphore_mem>>) src(%dma_wait3A_25 : memref<125x80xi32, #tpu.memory_space<hbm>>) dst(%arg8 : memref<125x80xi32, #tpu.memory_space<vmem>>)
      tpu.yield
    }) : () -> ()
    %barrier3A = arith.constant 0 : index
    tpu.barrier barrier_id(%barrier3A)
    %scan3A = arith.constant 0 : i32
    %scan3A_3 = arith.constant 0 : i32
    %scan3A_4 = arith.constant 125 : i32
    %scan3A_5 = arith.addi %scan3A_3, %scan3A_4 : i32
    %scan3A_6 = arith.constant 1 : i32
    scf.for %scan3A_12 = %scan3A_3 to %scan3A_5 step %scan3A_6  : i32 {
      %dma_start3A = arith.constant 0 : i32
      %dma_start3A_13 = tpu.memref_slice %arg7[%scan3A_12, %dma_start3A] : memref<125x80xi32, #tpu.memory_space<vmem>> -> memref<1x80xi32, #tpu.memory_space<vmem>>
      %dma_start3A_14 = tpu.memref_squeeze %dma_start3A_13 : memref<1x80xi32, #tpu.memory_space<vmem>> -> memref<80xi32, #tpu.memory_space<vmem>>
      %dma_start3A_15 = arith.constant 0 : i32
      %dma_start3A_16 = arith.constant 0 : i32
      %dma_start3A_17 = tpu.memref_slice %arg4[%dma_start3A_15, %dma_start3A_16] : memref<10000x128xf32, #tpu.memory_space<hbm>> -> memref<10000x128xf32, #tpu.memory_space<hbm>>
      tpu.enqueue_indirect_dma source(%dma_start3A_17 : memref<10000x128xf32, #tpu.memory_space<hbm>>) target(%arg9 : memref<80x128xf32, #tpu.memory_space<vmem>>) offsets(%dma_start3A_14 : memref<80xi32, #tpu.memory_space<vmem>>) semaphore(%arg11 : memref<!tpu.dma_semaphore, #tpu.memory_space<semaphore_mem>>)
      %dma_wait3A = arith.constant 0 : i32
      %dma_wait3A_18 = tpu.memref_slice %arg7[%scan3A_12, %dma_wait3A] : memref<125x80xi32, #tpu.memory_space<vmem>> -> memref<1x80xi32, #tpu.memory_space<vmem>>
      %dma_wait3A_19 = tpu.memref_squeeze %dma_wait3A_18 : memref<1x80xi32, #tpu.memory_space<vmem>> -> memref<80xi32, #tpu.memory_space<vmem>>
      %dma_wait3A_20 = arith.constant 0 : i32
      %dma_wait3A_21 = arith.constant 0 : i32
      %dma_wait3A_22 = tpu.memref_slice %arg4[%dma_wait3A_20, %dma_wait3A_21] : memref<10000x128xf32, #tpu.memory_space<hbm>> -> memref<10000x128xf32, #tpu.memory_space<hbm>>
      tpu.wait_indirect_dma semaphore(%arg11 : memref<!tpu.dma_semaphore, #tpu.memory_space<semaphore_mem>>) src(%dma_wait3A_22 : memref<10000x128xf32, #tpu.memory_space<hbm>>) dst(%arg9 : memref<80x128xf32, #tpu.memory_space<vmem>>)
      "tpu.region"() ({
        %run_scoped3A = tpu.sem_alloc : memref<!tpu.dma_semaphore, #tpu.memory_space<semaphore_mem>>
        %dma_start3A_23 = arith.constant 0 : i32
        %dma_start3A_24 = tpu.memref_slice %arg8[%scan3A_12, %dma_start3A_23] : memref<125x80xi32, #tpu.memory_space<vmem>> -> memref<1x80xi32, #tpu.memory_space<vmem>>
        %dma_start3A_25 = tpu.memref_squeeze %dma_start3A_24 : memref<1x80xi32, #tpu.memory_space<vmem>> -> memref<80xi32, #tpu.memory_space<vmem>>
        %dma_start3A_26 = arith.constant 0 : i32
        %dma_start3A_27 = arith.constant 0 : i32
        %dma_start3A_28 = tpu.memref_slice %arg10[%dma_start3A_26, %dma_start3A_27] : memref<10112x128xf32, #tpu.memory_space<vmem_shared>> -> memref<10112x128xf32, #tpu.memory_space<vmem_shared>>
        tpu.enqueue_indirect_dma source(%arg9 : memref<80x128xf32, #tpu.memory_space<vmem>>) target(%dma_start3A_28 : memref<10112x128xf32, #tpu.memory_space<vmem_shared>>) offsets(%dma_start3A_25 : memref<80xi32, #tpu.memory_space<vmem>>) semaphore(%run_scoped3A : memref<!tpu.dma_semaphore, #tpu.memory_space<semaphore_mem>>) {add = true}
        %dma_wait3A_29 = arith.constant 0 : i32
        %dma_wait3A_30 = tpu.memref_slice %arg8[%scan3A_12, %dma_wait3A_29] : memref<125x80xi32, #tpu.memory_space<vmem>> -> memref<1x80xi32, #tpu.memory_space<vmem>>
        %dma_wait3A_31 = tpu.memref_squeeze %dma_wait3A_30 : memref<1x80xi32, #tpu.memory_space<vmem>> -> memref<80xi32, #tpu.memory_space<vmem>>
        %dma_wait3A_32 = arith.constant 0 : i32
        %dma_wait3A_33 = arith.constant 0 : i32
        %dma_wait3A_34 = tpu.memref_slice %arg10[%dma_wait3A_32, %dma_wait3A_33] : memref<10112x128xf32, #tpu.memory_space<vmem_shared>> -> memref<10112x128xf32, #tpu.memory_space<vmem_shared>>
        tpu.wait_indirect_dma semaphore(%run_scoped3A : memref<!tpu.dma_semaphore, #tpu.memory_space<semaphore_mem>>) src(%arg9 : memref<80x128xf32, #tpu.memory_space<vmem>>) dst(%dma_wait3A_34 : memref<10112x128xf32, #tpu.memory_space<vmem_shared>>)
        tpu.yield
      }) : () -> ()
    }
    %scan3A_7 = arith.constant 125 : i32
    %barrier3A_8 = arith.constant 0 : index
    tpu.barrier barrier_id(%barrier3A_8)
    %mul3A_9 = arith.constant 10112 : i32
    %mul3A_10 = arith.muli %arg0, %mul3A_9 : i32
    %add3A_11 = arith.addi %mul3A_10, %mul3A_2 : i32
    "tpu.region"() ({
      %run_scoped3A = tpu.sem_alloc : memref<!tpu.dma_semaphore, #tpu.memory_space<semaphore_mem>>
      %dma_start3A = arith.constant 0 : i32
      %dma_start3A_12 = tpu.memref_slice %arg6[%add3A_11, %dma_start3A] : memref<20224x128xf32, #tpu.memory_space<hbm>> -> memref<632x128xf32, #tpu.memory_space<hbm>>
      %dma_start3A_13 = arith.constant 0 : i32
      %dma_start3A_14 = tpu.memref_slice %arg10[%mul3A_2, %dma_start3A_13] : memref<10112x128xf32, #tpu.memory_space<vmem_shared>> -> memref<632x128xf32, #tpu.memory_space<vmem_shared>>
      tpu.enqueue_dma source(%dma_start3A_14 : memref<632x128xf32, #tpu.memory_space<vmem_shared>>) target(%dma_start3A_12 : memref<632x128xf32, #tpu.memory_space<hbm>>) target_semaphore(%run_scoped3A : memref<!tpu.dma_semaphore, #tpu.memory_space<semaphore_mem>>)
      %dma_wait3A = arith.constant 0 : i32
      %dma_wait3A_15 = tpu.memref_slice %arg6[%add3A_11, %dma_wait3A] : memref<20224x128xf32, #tpu.memory_space<hbm>> -> memref<632x128xf32, #tpu.memory_space<hbm>>
      %dma_wait3A_16 = arith.constant 0 : i32
      %dma_wait3A_17 = tpu.memref_slice %arg10[%mul3A_2, %dma_wait3A_16] : memref<10112x128xf32, #tpu.memory_space<vmem_shared>> -> memref<632x128xf32, #tpu.memory_space<vmem_shared>>
      tpu.wait_dma2 semaphore(%run_scoped3A : memref<!tpu.dma_semaphore, #tpu.memory_space<semaphore_mem>>) src(%dma_wait3A_17 : memref<632x128xf32, #tpu.memory_space<vmem_shared>>) dst(%dma_wait3A_15 : memref<632x128xf32, #tpu.memory_space<hbm>>)
      tpu.yield
    }) : () -> ()
    return
  }
}

#map = affine_map<(d0, d1) -> (0, 0, 0)>
#map1 = affine_map<(d0, d1) -> (0, 0)>
module attributes {stable_mosaic.version = 14 : i64} {
  func.func @sc_deg(%arg0: i32, %arg1: i32, %arg2: memref<32x125x80xi32, #tpu.memory_space<hbm>>, %arg3: memref<80x128xf32, #tpu.memory_space<hbm>>, %arg4: memref<10112x128xf32, #tpu.memory_space<hbm>>, %arg5: memref<20224x128xf32, #tpu.memory_space<hbm>>, %arg6: memref<125x80xi32, #tpu.memory_space<vmem>>, %arg7: memref<80x128xf32, #tpu.memory_space<vmem>>, %arg8: memref<10112x128xf32, #tpu.memory_space<vmem_shared>>, %arg9: memref<!tpu.dma_semaphore, #tpu.memory_space<semaphore_mem>>) attributes {dimension_semantics = [#tpu.dimension_semantics<core_parallel>, #tpu.dimension_semantics<subcore_parallel>], iteration_bounds = array<i64: 2, 16>, scalar_prefetch = 0 : i64, scratch_operands = 4 : i64, tpu.core_type = #tpu.core_type<sc_vector_subcore>, window_params = [{transform_indices = #map}, {transform_indices = #map1}, {transform_indices = #map1}, {transform_indices = #map1}]} {
    %mul3A = arith.constant 16 : i32
    %mul3A_0 = arith.muli %arg0, %mul3A : i32
    %add3A = arith.addi %mul3A_0, %arg1 : i32
    %mul3A_1 = arith.constant 632 : i32
    %mul3A_2 = arith.muli %arg1, %mul3A_1 : i32
    "tpu.region"() ({
      %run_scoped3A = tpu.sem_alloc : memref<!tpu.dma_semaphore, #tpu.memory_space<semaphore_mem>>
      %dma_start3A = arith.constant 0 : i32
      %dma_start3A_12 = tpu.memref_slice %arg8[%mul3A_2, %dma_start3A] : memref<10112x128xf32, #tpu.memory_space<vmem_shared>> -> memref<632x128xf32, #tpu.memory_space<vmem_shared>>
      %dma_start3A_13 = arith.constant 0 : i32
      %dma_start3A_14 = tpu.memref_slice %arg4[%mul3A_2, %dma_start3A_13] : memref<10112x128xf32, #tpu.memory_space<hbm>> -> memref<632x128xf32, #tpu.memory_space<hbm>>
      tpu.enqueue_dma source(%dma_start3A_14 : memref<632x128xf32, #tpu.memory_space<hbm>>) target(%dma_start3A_12 : memref<632x128xf32, #tpu.memory_space<vmem_shared>>) target_semaphore(%run_scoped3A : memref<!tpu.dma_semaphore, #tpu.memory_space<semaphore_mem>>)
      %dma_wait3A = arith.constant 0 : i32
      %dma_wait3A_15 = tpu.memref_slice %arg8[%mul3A_2, %dma_wait3A] : memref<10112x128xf32, #tpu.memory_space<vmem_shared>> -> memref<632x128xf32, #tpu.memory_space<vmem_shared>>
      %dma_wait3A_16 = arith.constant 0 : i32
      %dma_wait3A_17 = tpu.memref_slice %arg4[%mul3A_2, %dma_wait3A_16] : memref<10112x128xf32, #tpu.memory_space<hbm>> -> memref<632x128xf32, #tpu.memory_space<hbm>>
      tpu.wait_dma2 semaphore(%run_scoped3A : memref<!tpu.dma_semaphore, #tpu.memory_space<semaphore_mem>>) src(%dma_wait3A_17 : memref<632x128xf32, #tpu.memory_space<hbm>>) dst(%dma_wait3A_15 : memref<632x128xf32, #tpu.memory_space<vmem_shared>>)
      tpu.yield
    }) : () -> ()
    "tpu.region"() ({
      %run_scoped3A = tpu.sem_alloc : memref<!tpu.dma_semaphore, #tpu.memory_space<semaphore_mem>>
      tpu.enqueue_dma source(%arg3 : memref<80x128xf32, #tpu.memory_space<hbm>>) target(%arg7 : memref<80x128xf32, #tpu.memory_space<vmem>>) target_semaphore(%run_scoped3A : memref<!tpu.dma_semaphore, #tpu.memory_space<semaphore_mem>>)
      tpu.wait_dma2 semaphore(%run_scoped3A : memref<!tpu.dma_semaphore, #tpu.memory_space<semaphore_mem>>) src(%arg3 : memref<80x128xf32, #tpu.memory_space<hbm>>) dst(%arg7 : memref<80x128xf32, #tpu.memory_space<vmem>>)
      tpu.yield
    }) : () -> ()
    "tpu.region"() ({
      %run_scoped3A = tpu.sem_alloc : memref<!tpu.dma_semaphore, #tpu.memory_space<semaphore_mem>>
      %dma_start3A = arith.constant 0 : i32
      %dma_start3A_12 = arith.constant 0 : i32
      %dma_start3A_13 = tpu.memref_slice %arg2[%add3A, %dma_start3A, %dma_start3A_12] : memref<32x125x80xi32, #tpu.memory_space<hbm>> -> memref<1x125x80xi32, #tpu.memory_space<hbm>>
      %dma_start3A_14 = tpu.memref_squeeze %dma_start3A_13 : memref<1x125x80xi32, #tpu.memory_space<hbm>> -> memref<125x80xi32, #tpu.memory_space<hbm>>
      %dma_start3A_15 = arith.constant 0 : i32
      %dma_start3A_16 = arith.constant 0 : i32
      %dma_start3A_17 = tpu.memref_slice %arg2[%add3A, %dma_start3A_15, %dma_start3A_16] : memref<32x125x80xi32, #tpu.memory_space<hbm>> -> memref<1x125x80xi32, #tpu.memory_space<hbm>>
      %dma_start3A_18 = tpu.memref_squeeze %dma_start3A_17 : memref<1x125x80xi32, #tpu.memory_space<hbm>> -> memref<125x80xi32, #tpu.memory_space<hbm>>
      tpu.enqueue_dma source(%dma_start3A_18 : memref<125x80xi32, #tpu.memory_space<hbm>>) target(%arg6 : memref<125x80xi32, #tpu.memory_space<vmem>>) target_semaphore(%run_scoped3A : memref<!tpu.dma_semaphore, #tpu.memory_space<semaphore_mem>>)
      %dma_wait3A = arith.constant 0 : i32
      %dma_wait3A_19 = arith.constant 0 : i32
      %dma_wait3A_20 = tpu.memref_slice %arg2[%add3A, %dma_wait3A, %dma_wait3A_19] : memref<32x125x80xi32, #tpu.memory_space<hbm>> -> memref<1x125x80xi32, #tpu.memory_space<hbm>>
      %dma_wait3A_21 = tpu.memref_squeeze %dma_wait3A_20 : memref<1x125x80xi32, #tpu.memory_space<hbm>> -> memref<125x80xi32, #tpu.memory_space<hbm>>
      %dma_wait3A_22 = arith.constant 0 : i32
      %dma_wait3A_23 = arith.constant 0 : i32
      %dma_wait3A_24 = tpu.memref_slice %arg2[%add3A, %dma_wait3A_22, %dma_wait3A_23] : memref<32x125x80xi32, #tpu.memory_space<hbm>> -> memref<1x125x80xi32, #tpu.memory_space<hbm>>
      %dma_wait3A_25 = tpu.memref_squeeze %dma_wait3A_24 : memref<1x125x80xi32, #tpu.memory_space<hbm>> -> memref<125x80xi32, #tpu.memory_space<hbm>>
      tpu.wait_dma2 semaphore(%run_scoped3A : memref<!tpu.dma_semaphore, #tpu.memory_space<semaphore_mem>>) src(%dma_wait3A_25 : memref<125x80xi32, #tpu.memory_space<hbm>>) dst(%arg6 : memref<125x80xi32, #tpu.memory_space<vmem>>)
      tpu.yield
    }) : () -> ()
    %barrier3A = arith.constant 0 : index
    tpu.barrier barrier_id(%barrier3A)
    %scan3A = arith.constant 0 : i32
    %scan3A_3 = arith.constant 0 : i32
    %scan3A_4 = arith.constant 126 : i32
    %scan3A_5 = arith.addi %scan3A_3, %scan3A_4 : i32
    %scan3A_6 = arith.constant 1 : i32
    scf.for %scan3A_12 = %scan3A_3 to %scan3A_5 step %scan3A_6  : i32 {
      %min3A = arith.constant 124 : i32
      %min3A_13 = arith.minsi %scan3A_12, %min3A : i32
      %lt3A = arith.constant 125 : i32
      %lt3A_14 = arith.cmpi slt, %scan3A_12, %lt3A : i32
      %convert_element_type3A = arith.extui %lt3A_14 : i1 to i32
      %cond3A = arith.constant 0 : i32
      %cond3A_15 = arith.cmpi ne, %convert_element_type3A, %cond3A : i32
      scf.if %cond3A_15 {
        %dma_start3A = arith.constant 0 : i32
        %dma_start3A_20 = tpu.memref_slice %arg6[%min3A_13, %dma_start3A] : memref<125x80xi32, #tpu.memory_space<vmem>> -> memref<1x80xi32, #tpu.memory_space<vmem>>
        %dma_start3A_21 = tpu.memref_squeeze %dma_start3A_20 : memref<1x80xi32, #tpu.memory_space<vmem>> -> memref<80xi32, #tpu.memory_space<vmem>>
        %dma_start3A_22 = arith.constant 0 : i32
        %dma_start3A_23 = arith.constant 0 : i32
        %dma_start3A_24 = tpu.memref_slice %arg8[%dma_start3A_22, %dma_start3A_23] : memref<10112x128xf32, #tpu.memory_space<vmem_shared>> -> memref<10112x128xf32, #tpu.memory_space<vmem_shared>>
        tpu.enqueue_indirect_dma source(%arg7 : memref<80x128xf32, #tpu.memory_space<vmem>>) target(%dma_start3A_24 : memref<10112x128xf32, #tpu.memory_space<vmem_shared>>) offsets(%dma_start3A_21 : memref<80xi32, #tpu.memory_space<vmem>>) semaphore(%arg9 : memref<!tpu.dma_semaphore, #tpu.memory_space<semaphore_mem>>) {add = true}
      } else {
      }
      %gt3A = arith.constant 0 : i32
      %gt3A_16 = arith.cmpi sgt, %scan3A_12, %gt3A : i32
      %convert_element_type3A_17 = arith.extui %gt3A_16 : i1 to i32
      %cond3A_18 = arith.constant 0 : i32
      %cond3A_19 = arith.cmpi ne, %convert_element_type3A_17, %cond3A_18 : i32
      scf.if %cond3A_19 {
        %dma_wait3A = arith.constant 0 : i32
        %dma_wait3A_20 = tpu.memref_slice %arg6[%min3A_13, %dma_wait3A] : memref<125x80xi32, #tpu.memory_space<vmem>> -> memref<1x80xi32, #tpu.memory_space<vmem>>
        %dma_wait3A_21 = tpu.memref_squeeze %dma_wait3A_20 : memref<1x80xi32, #tpu.memory_space<vmem>> -> memref<80xi32, #tpu.memory_space<vmem>>
        %dma_wait3A_22 = arith.constant 0 : i32
        %dma_wait3A_23 = arith.constant 0 : i32
        %dma_wait3A_24 = tpu.memref_slice %arg8[%dma_wait3A_22, %dma_wait3A_23] : memref<10112x128xf32, #tpu.memory_space<vmem_shared>> -> memref<10112x128xf32, #tpu.memory_space<vmem_shared>>
        tpu.wait_indirect_dma semaphore(%arg9 : memref<!tpu.dma_semaphore, #tpu.memory_space<semaphore_mem>>) src(%arg7 : memref<80x128xf32, #tpu.memory_space<vmem>>) dst(%dma_wait3A_24 : memref<10112x128xf32, #tpu.memory_space<vmem_shared>>)
      } else {
      }
    }
    %scan3A_7 = arith.constant 126 : i32
    %barrier3A_8 = arith.constant 0 : index
    tpu.barrier barrier_id(%barrier3A_8)
    %mul3A_9 = arith.constant 10112 : i32
    %mul3A_10 = arith.muli %arg0, %mul3A_9 : i32
    %add3A_11 = arith.addi %mul3A_10, %mul3A_2 : i32
    "tpu.region"() ({
      %run_scoped3A = tpu.sem_alloc : memref<!tpu.dma_semaphore, #tpu.memory_space<semaphore_mem>>
      %dma_start3A = arith.constant 0 : i32
      %dma_start3A_12 = tpu.memref_slice %arg5[%add3A_11, %dma_start3A] : memref<20224x128xf32, #tpu.memory_space<hbm>> -> memref<632x128xf32, #tpu.memory_space<hbm>>
      %dma_start3A_13 = arith.constant 0 : i32
      %dma_start3A_14 = tpu.memref_slice %arg8[%mul3A_2, %dma_start3A_13] : memref<10112x128xf32, #tpu.memory_space<vmem_shared>> -> memref<632x128xf32, #tpu.memory_space<vmem_shared>>
      tpu.enqueue_dma source(%dma_start3A_14 : memref<632x128xf32, #tpu.memory_space<vmem_shared>>) target(%dma_start3A_12 : memref<632x128xf32, #tpu.memory_space<hbm>>) target_semaphore(%run_scoped3A : memref<!tpu.dma_semaphore, #tpu.memory_space<semaphore_mem>>)
      %dma_wait3A = arith.constant 0 : i32
      %dma_wait3A_15 = tpu.memref_slice %arg5[%add3A_11, %dma_wait3A] : memref<20224x128xf32, #tpu.memory_space<hbm>> -> memref<632x128xf32, #tpu.memory_space<hbm>>
      %dma_wait3A_16 = arith.constant 0 : i32
      %dma_wait3A_17 = tpu.memref_slice %arg8[%mul3A_2, %dma_wait3A_16] : memref<10112x128xf32, #tpu.memory_space<vmem_shared>> -> memref<632x128xf32, #tpu.memory_space<vmem_shared>>
      tpu.wait_dma2 semaphore(%run_scoped3A : memref<!tpu.dma_semaphore, #tpu.memory_space<semaphore_mem>>) src(%dma_wait3A_17 : memref<632x128xf32, #tpu.memory_space<vmem_shared>>) dst(%dma_wait3A_15 : memref<632x128xf32, #tpu.memory_space<hbm>>)
      tpu.yield
    }) : () -> ()
    return
  }
}

#map = affine_map<(d0, d1) -> (0, 0, 0)>
#map1 = affine_map<(d0, d1) -> (0, 0)>
module attributes {stable_mosaic.version = 14 : i64} {
  func.func @sc_agg(%arg0: i32, %arg1: i32, %arg2: memref<32x125x80xi32, #tpu.memory_space<hbm>>, %arg3: memref<32x125x80xi32, #tpu.memory_space<hbm>>, %arg4: memref<10000x128xf32, #tpu.memory_space<hbm>>, %arg5: memref<10112x128xf32, #tpu.memory_space<hbm>>, %arg6: memref<20224x128xf32, #tpu.memory_space<hbm>>, %arg7: memref<125x80xi32, #tpu.memory_space<vmem>>, %arg8: memref<125x80xi32, #tpu.memory_space<vmem>>, %arg9: memref<80x128xf32, #tpu.memory_space<vmem>>, %arg10: memref<10112x128xf32, #tpu.memory_space<vmem_shared>>, %arg11: memref<!tpu.dma_semaphore, #tpu.memory_space<semaphore_mem>>) attributes {dimension_semantics = [#tpu.dimension_semantics<core_parallel>, #tpu.dimension_semantics<subcore_parallel>], iteration_bounds = array<i64: 2, 16>, scalar_prefetch = 0 : i64, scratch_operands = 5 : i64, tpu.core_type = #tpu.core_type<sc_vector_subcore>, window_params = [{transform_indices = #map}, {transform_indices = #map}, {transform_indices = #map1}, {transform_indices = #map1}, {transform_indices = #map1}]} {
    %mul3A = arith.constant 16 : i32
    %mul3A_0 = arith.muli %arg0, %mul3A : i32
    %add3A = arith.addi %mul3A_0, %arg1 : i32
    %mul3A_1 = arith.constant 632 : i32
    %mul3A_2 = arith.muli %arg1, %mul3A_1 : i32
    "tpu.region"() ({
      %run_scoped3A = tpu.sem_alloc : memref<!tpu.dma_semaphore, #tpu.memory_space<semaphore_mem>>
      %dma_start3A = arith.constant 0 : i32
      %dma_start3A_12 = tpu.memref_slice %arg10[%mul3A_2, %dma_start3A] : memref<10112x128xf32, #tpu.memory_space<vmem_shared>> -> memref<632x128xf32, #tpu.memory_space<vmem_shared>>
      %dma_start3A_13 = arith.constant 0 : i32
      %dma_start3A_14 = tpu.memref_slice %arg5[%mul3A_2, %dma_start3A_13] : memref<10112x128xf32, #tpu.memory_space<hbm>> -> memref<632x128xf32, #tpu.memory_space<hbm>>
      tpu.enqueue_dma source(%dma_start3A_14 : memref<632x128xf32, #tpu.memory_space<hbm>>) target(%dma_start3A_12 : memref<632x128xf32, #tpu.memory_space<vmem_shared>>) target_semaphore(%run_scoped3A : memref<!tpu.dma_semaphore, #tpu.memory_space<semaphore_mem>>)
      %dma_wait3A = arith.constant 0 : i32
      %dma_wait3A_15 = tpu.memref_slice %arg10[%mul3A_2, %dma_wait3A] : memref<10112x128xf32, #tpu.memory_space<vmem_shared>> -> memref<632x128xf32, #tpu.memory_space<vmem_shared>>
      %dma_wait3A_16 = arith.constant 0 : i32
      %dma_wait3A_17 = tpu.memref_slice %arg5[%mul3A_2, %dma_wait3A_16] : memref<10112x128xf32, #tpu.memory_space<hbm>> -> memref<632x128xf32, #tpu.memory_space<hbm>>
      tpu.wait_dma2 semaphore(%run_scoped3A : memref<!tpu.dma_semaphore, #tpu.memory_space<semaphore_mem>>) src(%dma_wait3A_17 : memref<632x128xf32, #tpu.memory_space<hbm>>) dst(%dma_wait3A_15 : memref<632x128xf32, #tpu.memory_space<vmem_shared>>)
      tpu.yield
    }) : () -> ()
    "tpu.region"() ({
      %run_scoped3A = tpu.sem_alloc : memref<!tpu.dma_semaphore, #tpu.memory_space<semaphore_mem>>
      %dma_start3A = arith.constant 0 : i32
      %dma_start3A_12 = arith.constant 0 : i32
      %dma_start3A_13 = tpu.memref_slice %arg2[%add3A, %dma_start3A, %dma_start3A_12] : memref<32x125x80xi32, #tpu.memory_space<hbm>> -> memref<1x125x80xi32, #tpu.memory_space<hbm>>
      %dma_start3A_14 = tpu.memref_squeeze %dma_start3A_13 : memref<1x125x80xi32, #tpu.memory_space<hbm>> -> memref<125x80xi32, #tpu.memory_space<hbm>>
      %dma_start3A_15 = arith.constant 0 : i32
      %dma_start3A_16 = arith.constant 0 : i32
      %dma_start3A_17 = tpu.memref_slice %arg2[%add3A, %dma_start3A_15, %dma_start3A_16] : memref<32x125x80xi32, #tpu.memory_space<hbm>> -> memref<1x125x80xi32, #tpu.memory_space<hbm>>
      %dma_start3A_18 = tpu.memref_squeeze %dma_start3A_17 : memref<1x125x80xi32, #tpu.memory_space<hbm>> -> memref<125x80xi32, #tpu.memory_space<hbm>>
      tpu.enqueue_dma source(%dma_start3A_18 : memref<125x80xi32, #tpu.memory_space<hbm>>) target(%arg7 : memref<125x80xi32, #tpu.memory_space<vmem>>) target_semaphore(%run_scoped3A : memref<!tpu.dma_semaphore, #tpu.memory_space<semaphore_mem>>)
      %dma_wait3A = arith.constant 0 : i32
      %dma_wait3A_19 = arith.constant 0 : i32
      %dma_wait3A_20 = tpu.memref_slice %arg2[%add3A, %dma_wait3A, %dma_wait3A_19] : memref<32x125x80xi32, #tpu.memory_space<hbm>> -> memref<1x125x80xi32, #tpu.memory_space<hbm>>
      %dma_wait3A_21 = tpu.memref_squeeze %dma_wait3A_20 : memref<1x125x80xi32, #tpu.memory_space<hbm>> -> memref<125x80xi32, #tpu.memory_space<hbm>>
      %dma_wait3A_22 = arith.constant 0 : i32
      %dma_wait3A_23 = arith.constant 0 : i32
      %dma_wait3A_24 = tpu.memref_slice %arg2[%add3A, %dma_wait3A_22, %dma_wait3A_23] : memref<32x125x80xi32, #tpu.memory_space<hbm>> -> memref<1x125x80xi32, #tpu.memory_space<hbm>>
      %dma_wait3A_25 = tpu.memref_squeeze %dma_wait3A_24 : memref<1x125x80xi32, #tpu.memory_space<hbm>> -> memref<125x80xi32, #tpu.memory_space<hbm>>
      tpu.wait_dma2 semaphore(%run_scoped3A : memref<!tpu.dma_semaphore, #tpu.memory_space<semaphore_mem>>) src(%dma_wait3A_25 : memref<125x80xi32, #tpu.memory_space<hbm>>) dst(%arg7 : memref<125x80xi32, #tpu.memory_space<vmem>>)
      tpu.yield
    }) : () -> ()
    "tpu.region"() ({
      %run_scoped3A = tpu.sem_alloc : memref<!tpu.dma_semaphore, #tpu.memory_space<semaphore_mem>>
      %dma_start3A = arith.constant 0 : i32
      %dma_start3A_12 = arith.constant 0 : i32
      %dma_start3A_13 = tpu.memref_slice %arg3[%add3A, %dma_start3A, %dma_start3A_12] : memref<32x125x80xi32, #tpu.memory_space<hbm>> -> memref<1x125x80xi32, #tpu.memory_space<hbm>>
      %dma_start3A_14 = tpu.memref_squeeze %dma_start3A_13 : memref<1x125x80xi32, #tpu.memory_space<hbm>> -> memref<125x80xi32, #tpu.memory_space<hbm>>
      %dma_start3A_15 = arith.constant 0 : i32
      %dma_start3A_16 = arith.constant 0 : i32
      %dma_start3A_17 = tpu.memref_slice %arg3[%add3A, %dma_start3A_15, %dma_start3A_16] : memref<32x125x80xi32, #tpu.memory_space<hbm>> -> memref<1x125x80xi32, #tpu.memory_space<hbm>>
      %dma_start3A_18 = tpu.memref_squeeze %dma_start3A_17 : memref<1x125x80xi32, #tpu.memory_space<hbm>> -> memref<125x80xi32, #tpu.memory_space<hbm>>
      tpu.enqueue_dma source(%dma_start3A_18 : memref<125x80xi32, #tpu.memory_space<hbm>>) target(%arg8 : memref<125x80xi32, #tpu.memory_space<vmem>>) target_semaphore(%run_scoped3A : memref<!tpu.dma_semaphore, #tpu.memory_space<semaphore_mem>>)
      %dma_wait3A = arith.constant 0 : i32
      %dma_wait3A_19 = arith.constant 0 : i32
      %dma_wait3A_20 = tpu.memref_slice %arg3[%add3A, %dma_wait3A, %dma_wait3A_19] : memref<32x125x80xi32, #tpu.memory_space<hbm>> -> memref<1x125x80xi32, #tpu.memory_space<hbm>>
      %dma_wait3A_21 = tpu.memref_squeeze %dma_wait3A_20 : memref<1x125x80xi32, #tpu.memory_space<hbm>> -> memref<125x80xi32, #tpu.memory_space<hbm>>
      %dma_wait3A_22 = arith.constant 0 : i32
      %dma_wait3A_23 = arith.constant 0 : i32
      %dma_wait3A_24 = tpu.memref_slice %arg3[%add3A, %dma_wait3A_22, %dma_wait3A_23] : memref<32x125x80xi32, #tpu.memory_space<hbm>> -> memref<1x125x80xi32, #tpu.memory_space<hbm>>
      %dma_wait3A_25 = tpu.memref_squeeze %dma_wait3A_24 : memref<1x125x80xi32, #tpu.memory_space<hbm>> -> memref<125x80xi32, #tpu.memory_space<hbm>>
      tpu.wait_dma2 semaphore(%run_scoped3A : memref<!tpu.dma_semaphore, #tpu.memory_space<semaphore_mem>>) src(%dma_wait3A_25 : memref<125x80xi32, #tpu.memory_space<hbm>>) dst(%arg8 : memref<125x80xi32, #tpu.memory_space<vmem>>)
      tpu.yield
    }) : () -> ()
    %barrier3A = arith.constant 0 : index
    tpu.barrier barrier_id(%barrier3A)
    %scan3A = arith.constant 0 : i32
    %scan3A_3 = arith.constant 0 : i32
    %scan3A_4 = arith.constant 125 : i32
    %scan3A_5 = arith.addi %scan3A_3, %scan3A_4 : i32
    %scan3A_6 = arith.constant 1 : i32
    scf.for %scan3A_12 = %scan3A_3 to %scan3A_5 step %scan3A_6  : i32 {
      %dma_start3A = arith.constant 0 : i32
      %dma_start3A_13 = tpu.memref_slice %arg7[%scan3A_12, %dma_start3A] : memref<125x80xi32, #tpu.memory_space<vmem>> -> memref<1x80xi32, #tpu.memory_space<vmem>>
      %dma_start3A_14 = tpu.memref_squeeze %dma_start3A_13 : memref<1x80xi32, #tpu.memory_space<vmem>> -> memref<80xi32, #tpu.memory_space<vmem>>
      %dma_start3A_15 = arith.constant 0 : i32
      %dma_start3A_16 = arith.constant 0 : i32
      %dma_start3A_17 = tpu.memref_slice %arg4[%dma_start3A_15, %dma_start3A_16] : memref<10000x128xf32, #tpu.memory_space<hbm>> -> memref<10000x128xf32, #tpu.memory_space<hbm>>
      tpu.enqueue_indirect_dma source(%dma_start3A_17 : memref<10000x128xf32, #tpu.memory_space<hbm>>) target(%arg9 : memref<80x128xf32, #tpu.memory_space<vmem>>) offsets(%dma_start3A_14 : memref<80xi32, #tpu.memory_space<vmem>>) semaphore(%arg11 : memref<!tpu.dma_semaphore, #tpu.memory_space<semaphore_mem>>)
      %dma_wait3A = arith.constant 0 : i32
      %dma_wait3A_18 = tpu.memref_slice %arg7[%scan3A_12, %dma_wait3A] : memref<125x80xi32, #tpu.memory_space<vmem>> -> memref<1x80xi32, #tpu.memory_space<vmem>>
      %dma_wait3A_19 = tpu.memref_squeeze %dma_wait3A_18 : memref<1x80xi32, #tpu.memory_space<vmem>> -> memref<80xi32, #tpu.memory_space<vmem>>
      %dma_wait3A_20 = arith.constant 0 : i32
      %dma_wait3A_21 = arith.constant 0 : i32
      %dma_wait3A_22 = tpu.memref_slice %arg4[%dma_wait3A_20, %dma_wait3A_21] : memref<10000x128xf32, #tpu.memory_space<hbm>> -> memref<10000x128xf32, #tpu.memory_space<hbm>>
      tpu.wait_indirect_dma semaphore(%arg11 : memref<!tpu.dma_semaphore, #tpu.memory_space<semaphore_mem>>) src(%dma_wait3A_22 : memref<10000x128xf32, #tpu.memory_space<hbm>>) dst(%arg9 : memref<80x128xf32, #tpu.memory_space<vmem>>)
      "tpu.region"() ({
        %run_scoped3A = tpu.sem_alloc : memref<!tpu.dma_semaphore, #tpu.memory_space<semaphore_mem>>
        %dma_start3A_23 = arith.constant 0 : i32
        %dma_start3A_24 = tpu.memref_slice %arg8[%scan3A_12, %dma_start3A_23] : memref<125x80xi32, #tpu.memory_space<vmem>> -> memref<1x80xi32, #tpu.memory_space<vmem>>
        %dma_start3A_25 = tpu.memref_squeeze %dma_start3A_24 : memref<1x80xi32, #tpu.memory_space<vmem>> -> memref<80xi32, #tpu.memory_space<vmem>>
        %dma_start3A_26 = arith.constant 0 : i32
        %dma_start3A_27 = arith.constant 0 : i32
        %dma_start3A_28 = tpu.memref_slice %arg10[%dma_start3A_26, %dma_start3A_27] : memref<10112x128xf32, #tpu.memory_space<vmem_shared>> -> memref<10112x128xf32, #tpu.memory_space<vmem_shared>>
        tpu.enqueue_indirect_dma source(%arg9 : memref<80x128xf32, #tpu.memory_space<vmem>>) target(%dma_start3A_28 : memref<10112x128xf32, #tpu.memory_space<vmem_shared>>) offsets(%dma_start3A_25 : memref<80xi32, #tpu.memory_space<vmem>>) semaphore(%run_scoped3A : memref<!tpu.dma_semaphore, #tpu.memory_space<semaphore_mem>>) {add = true}
        %dma_wait3A_29 = arith.constant 0 : i32
        %dma_wait3A_30 = tpu.memref_slice %arg8[%scan3A_12, %dma_wait3A_29] : memref<125x80xi32, #tpu.memory_space<vmem>> -> memref<1x80xi32, #tpu.memory_space<vmem>>
        %dma_wait3A_31 = tpu.memref_squeeze %dma_wait3A_30 : memref<1x80xi32, #tpu.memory_space<vmem>> -> memref<80xi32, #tpu.memory_space<vmem>>
        %dma_wait3A_32 = arith.constant 0 : i32
        %dma_wait3A_33 = arith.constant 0 : i32
        %dma_wait3A_34 = tpu.memref_slice %arg10[%dma_wait3A_32, %dma_wait3A_33] : memref<10112x128xf32, #tpu.memory_space<vmem_shared>> -> memref<10112x128xf32, #tpu.memory_space<vmem_shared>>
        tpu.wait_indirect_dma semaphore(%run_scoped3A : memref<!tpu.dma_semaphore, #tpu.memory_space<semaphore_mem>>) src(%arg9 : memref<80x128xf32, #tpu.memory_space<vmem>>) dst(%dma_wait3A_34 : memref<10112x128xf32, #tpu.memory_space<vmem_shared>>)
        tpu.yield
      }) : () -> ()
    }
    %scan3A_7 = arith.constant 125 : i32
    %barrier3A_8 = arith.constant 0 : index
    tpu.barrier barrier_id(%barrier3A_8)
    %mul3A_9 = arith.constant 10112 : i32
    %mul3A_10 = arith.muli %arg0, %mul3A_9 : i32
    %add3A_11 = arith.addi %mul3A_10, %mul3A_2 : i32
    "tpu.region"() ({
      %run_scoped3A = tpu.sem_alloc : memref<!tpu.dma_semaphore, #tpu.memory_space<semaphore_mem>>
      %dma_start3A = arith.constant 0 : i32
      %dma_start3A_12 = tpu.memref_slice %arg6[%add3A_11, %dma_start3A] : memref<20224x128xf32, #tpu.memory_space<hbm>> -> memref<632x128xf32, #tpu.memory_space<hbm>>
      %dma_start3A_13 = arith.constant 0 : i32
      %dma_start3A_14 = tpu.memref_slice %arg10[%mul3A_2, %dma_start3A_13] : memref<10112x128xf32, #tpu.memory_space<vmem_shared>> -> memref<632x128xf32, #tpu.memory_space<vmem_shared>>
      tpu.enqueue_dma source(%dma_start3A_14 : memref<632x128xf32, #tpu.memory_space<vmem_shared>>) target(%dma_start3A_12 : memref<632x128xf32, #tpu.memory_space<hbm>>) target_semaphore(%run_scoped3A : memref<!tpu.dma_semaphore, #tpu.memory_space<semaphore_mem>>)
      %dma_wait3A = arith.constant 0 : i32
      %dma_wait3A_15 = tpu.memref_slice %arg6[%add3A_11, %dma_wait3A] : memref<20224x128xf32, #tpu.memory_space<hbm>> -> memref<632x128xf32, #tpu.memory_space<hbm>>
      %dma_wait3A_16 = arith.constant 0 : i32
      %dma_wait3A_17 = tpu.memref_slice %arg10[%mul3A_2, %dma_wait3A_16] : memref<10112x128xf32, #tpu.memory_space<vmem_shared>> -> memref<632x128xf32, #tpu.memory_space<vmem_shared>>
      tpu.wait_dma2 semaphore(%run_scoped3A : memref<!tpu.dma_semaphore, #tpu.memory_space<semaphore_mem>>) src(%dma_wait3A_17 : memref<632x128xf32, #tpu.memory_space<vmem_shared>>) dst(%dma_wait3A_15 : memref<632x128xf32, #tpu.memory_space<hbm>>)
      tpu.yield
    }) : () -> ()
    return
  }
}

module attributes {stable_mosaic.version = 14 : i64} {
  func.func @_tc_emb_body(%arg0: memref<10000x128xf32, #tpu.memory_space<vmem>>, %arg1: memref<128x128xf32, #tpu.memory_space<vmem>>, %arg2: memref<1x128xf32, #tpu.memory_space<vmem>>, %arg3: memref<10000x128xf32, #tpu.memory_space<vmem>>) attributes {dimension_semantics = [], scalar_prefetch = 0 : i64, scratch_operands = 0 : i64, tpu.core_type = #tpu.core_type<tc>} {
    %get3A = arith.constant 0 : index
    %get3A_0 = arith.constant 0 : index
    %get3A_1 = vector.load %arg0[%get3A, %get3A_0] : memref<10000x128xf32, #tpu.memory_space<vmem>>, vector<10000x128xf32>
    %get3A_2 = arith.constant 0 : index
    %get3A_3 = arith.constant 0 : index
    %get3A_4 = vector.load %arg1[%get3A_2, %get3A_3] : memref<128x128xf32, #tpu.memory_space<vmem>>, vector<128x128xf32>
    %dot_general3A = arith.constant dense<0.000000e+00> : vector<10000x128xf32>
    %dot_general3A_5 = tpu.matmul %get3A_1, %get3A_4, %dot_general3A {dimension_numbers = #tpu.dot_dimension_numbers<[1], [0], [0], [1], [0, 0, 1, 1], [], []>, transpose_lhs_hint = false} : vector<10000x128xf32>, vector<128x128xf32>, vector<10000x128xf32> -> vector<10000x128xf32>
    %get3A_6 = arith.constant 0 : index
    %get3A_7 = arith.constant 0 : index
    %get3A_8 = vector.load %arg2[%get3A_6, %get3A_7] : memref<1x128xf32, #tpu.memory_space<vmem>>, vector<1x128xf32>
    %add3A = vector.broadcast %get3A_8 : vector<1x128xf32> to vector<10000x128xf32>
    %add3A_9 = arith.addf %dot_general3A_5, %add3A : vector<10000x128xf32>
    %swap3A = arith.constant 0 : index
    %swap3A_10 = arith.constant 0 : index
    %swap3A_11 = vector.load %arg3[%swap3A, %swap3A_10] : memref<10000x128xf32, #tpu.memory_space<vmem>>, vector<10000x128xf32>
    tpu.vector_store %arg3[%swap3A, %swap3A_10], %add3A_9 {strides = array<i32>} : memref<10000x128xf32, #tpu.memory_space<vmem>>, vector<10000x128xf32>,
    return
  }
}

module attributes {stable_mosaic.version = 14 : i64} {
  func.func @_tc_layer_body(%arg0: memref<10000x128xf32, #tpu.memory_space<vmem>>, %arg1: memref<20224x128xf32, #tpu.memory_space<vmem>>, %arg2: memref<20224x128xf32, #tpu.memory_space<vmem>>, %arg3: memref<256x128xf32, #tpu.memory_space<vmem>>, %arg4: memref<1x128xf32, #tpu.memory_space<vmem>>, %arg5: memref<1x128xf32, #tpu.memory_space<vmem>>, %arg6: memref<1x128xf32, #tpu.memory_space<vmem>>, %arg7: memref<10000x128xf32, #tpu.memory_space<vmem>>) attributes {dimension_semantics = [], scalar_prefetch = 0 : i64, scratch_operands = 0 : i64, tpu.core_type = #tpu.core_type<tc>} {
    %get3A = arith.constant 0 : index
    %get3A_0 = arith.constant 0 : index
    %get3A_1 = vector.load %arg0[%get3A, %get3A_0] : memref<10000x128xf32, #tpu.memory_space<vmem>>, vector<10000x128xf32>
    %get3A_2 = arith.constant 0 : index
    %get3A_3 = arith.constant 0 : index
    %get3A_4 = vector.load %arg1[%get3A_2, %get3A_3] : memref<20224x128xf32, #tpu.memory_space<vmem>>, vector<10000x128xf32>
    %get3A_5 = arith.constant 10112 : index
    %get3A_6 = arith.constant 0 : index
    %get3A_7 = vector.load %arg1[%get3A_5, %get3A_6] : memref<20224x128xf32, #tpu.memory_space<vmem>>, vector<10000x128xf32>
    %add3A = arith.addf %get3A_4, %get3A_7 : vector<10000x128xf32>
    %get3A_8 = arith.constant 0 : index
    %get3A_9 = arith.constant 0 : index
    %get3A_10 = vector.load %arg2[%get3A_8, %get3A_9] : memref<20224x128xf32, #tpu.memory_space<vmem>>, vector<10000x128xf32>
    %get3A_11 = arith.constant 10112 : index
    %get3A_12 = arith.constant 0 : index
    %get3A_13 = vector.load %arg2[%get3A_11, %get3A_12] : memref<20224x128xf32, #tpu.memory_space<vmem>>, vector<10000x128xf32>
    %add3A_14 = arith.addf %get3A_10, %get3A_13 : vector<10000x128xf32>
    %max3A = arith.constant 1.000000e+00 : f32
    %max3A_15 = vector.broadcast %max3A : f32 to vector<10000x128xf32>
    %max3A_16 = arith.maximumf %add3A_14, %max3A_15 : vector<10000x128xf32>
    %div3A = arith.constant 1.000000e+00 : f32
    %div3A_17 = vector.broadcast %div3A : f32 to vector<10000x128xf32>
    %div3A_18 = arith.divf %div3A_17, %max3A_16 : vector<10000x128xf32>
    %get3A_19 = arith.constant 0 : index
    %get3A_20 = arith.constant 0 : index
    %get3A_21 = vector.load %arg3[%get3A_19, %get3A_20] : memref<256x128xf32, #tpu.memory_space<vmem>>, vector<256x128xf32>
    %slice3A = vector.extract_strided_slice %get3A_21 {offsets = [0, 0], sizes = [128, 128], strides = [1, 1]} : vector<256x128xf32> to vector<128x128xf32>
    %dot_general3A = arith.constant dense<0.000000e+00> : vector<10000x128xf32>
    %dot_general3A_22 = tpu.matmul %get3A_1, %slice3A, %dot_general3A {dimension_numbers = #tpu.dot_dimension_numbers<[1], [0], [0], [1], [0, 0, 1, 1], [], []>, transpose_lhs_hint = false} : vector<10000x128xf32>, vector<128x128xf32>, vector<10000x128xf32> -> vector<10000x128xf32>
    %mul3A = arith.mulf %add3A, %div3A_18 : vector<10000x128xf32>
    %slice3A_23 = vector.extract_strided_slice %get3A_21 {offsets = [128, 0], sizes = [128, 128], strides = [1, 1]} : vector<256x128xf32> to vector<128x128xf32>
    %dot_general3A_24 = arith.constant dense<0.000000e+00> : vector<10000x128xf32>
    %dot_general3A_25 = tpu.matmul %mul3A, %slice3A_23, %dot_general3A_24 {dimension_numbers = #tpu.dot_dimension_numbers<[1], [0], [0], [1], [0, 0, 1, 1], [], []>, transpose_lhs_hint = false} : vector<10000x128xf32>, vector<128x128xf32>, vector<10000x128xf32> -> vector<10000x128xf32>
    %add3A_26 = arith.addf %dot_general3A_22, %dot_general3A_25 : vector<10000x128xf32>
    %get3A_27 = arith.constant 0 : index
    %get3A_28 = arith.constant 0 : index
    %get3A_29 = vector.load %arg4[%get3A_27, %get3A_28] : memref<1x128xf32, #tpu.memory_space<vmem>>, vector<1x128xf32>
    %add3A_30 = vector.broadcast %get3A_29 : vector<1x128xf32> to vector<10000x128xf32>
    %add3A_31 = arith.addf %add3A_26, %add3A_30 : vector<10000x128xf32>
    %mul3A_32 = arith.mulf %add3A_31, %add3A_31 : vector<10000x128xf32>
    %reduce_sum3A = arith.constant dense<0.000000e+00> : vector<10000xf32>
    %reduce_sum3A_33 = vector.multi_reduction <add>, %mul3A_32, %reduce_sum3A [1] : vector<10000x128xf32> to vector<10000xf32>
    %broadcast_in_dim3A = vector.shape_cast %reduce_sum3A_33 : vector<10000xf32> to vector<10000x1xf32>
    %sqrt3A = math.sqrt %broadcast_in_dim3A : vector<10000x1xf32>
    %max3A_34 = arith.constant 9.99999996E-13 : f32
    %max3A_35 = vector.broadcast %max3A_34 : f32 to vector<10000x1xf32>
    %max3A_36 = arith.maximumf %sqrt3A, %max3A_35 : vector<10000x1xf32>
    %div3A_37 = vector.broadcast %max3A_36 : vector<10000x1xf32> to vector<10000x128xf32>
    %div3A_38 = arith.divf %add3A_31, %div3A_37 : vector<10000x128xf32>
    %max3A_39 = arith.constant 0.000000e+00 : f32
    %max3A_40 = vector.broadcast %max3A_39 : f32 to vector<10000x128xf32>
    %max3A_41 = arith.maximumf %div3A_38, %max3A_40 : vector<10000x128xf32>
    %reduce_sum3A_42 = arith.constant dense<0.000000e+00> : vector<128xf32>
    %reduce_sum3A_43 = vector.multi_reduction <add>, %max3A_41, %reduce_sum3A_42 [0] : vector<10000x128xf32> to vector<128xf32>
    %broadcast_in_dim3A_44 = vector.shape_cast %reduce_sum3A_43 : vector<128xf32> to vector<1x128xf32>
    %div3A_45 = arith.constant 1.000000e+04 : f32
    %div3A_46 = vector.broadcast %div3A_45 : f32 to vector<1x128xf32>
    %div3A_47 = arith.divf %broadcast_in_dim3A_44, %div3A_46 : vector<1x128xf32>
    %sub3A = vector.broadcast %div3A_47 : vector<1x128xf32> to vector<10000x128xf32>
    %sub3A_48 = arith.subf %max3A_41, %sub3A : vector<10000x128xf32>
    %integer_pow3A = arith.mulf %sub3A_48, %sub3A_48 : vector<10000x128xf32>
    %reduce_sum3A_49 = arith.constant dense<0.000000e+00> : vector<128xf32>
    %reduce_sum3A_50 = vector.multi_reduction <add>, %integer_pow3A, %reduce_sum3A_49 [0] : vector<10000x128xf32> to vector<128xf32>
    %broadcast_in_dim3A_51 = vector.shape_cast %reduce_sum3A_50 : vector<128xf32> to vector<1x128xf32>
    %div3A_52 = arith.constant 1.000000e+04 : f32
    %div3A_53 = vector.broadcast %div3A_52 : f32 to vector<1x128xf32>
    %div3A_54 = arith.divf %broadcast_in_dim3A_51, %div3A_53 : vector<1x128xf32>
    %sub3A_55 = vector.broadcast %div3A_47 : vector<1x128xf32> to vector<10000x128xf32>
    %sub3A_56 = arith.subf %max3A_41, %sub3A_55 : vector<10000x128xf32>
    %add3A_57 = arith.constant 9.99999974E-6 : f32
    %add3A_58 = vector.broadcast %add3A_57 : f32 to vector<1x128xf32>
    %add3A_59 = arith.addf %div3A_54, %add3A_58 : vector<1x128xf32>
    %rsqrt3A = math.rsqrt %add3A_59 : vector<1x128xf32>
    %mul3A_60 = vector.broadcast %rsqrt3A : vector<1x128xf32> to vector<10000x128xf32>
    %mul3A_61 = arith.mulf %sub3A_56, %mul3A_60 : vector<10000x128xf32>
    %get3A_62 = arith.constant 0 : index
    %get3A_63 = arith.constant 0 : index
    %get3A_64 = vector.load %arg5[%get3A_62, %get3A_63] : memref<1x128xf32, #tpu.memory_space<vmem>>, vector<1x128xf32>
    %mul3A_65 = vector.broadcast %get3A_64 : vector<1x128xf32> to vector<10000x128xf32>
    %mul3A_66 = arith.mulf %mul3A_61, %mul3A_65 : vector<10000x128xf32>
    %add3A_67 = arith.addf %get3A_1, %mul3A_66 : vector<10000x128xf32>
    %get3A_68 = arith.constant 0 : index
    %get3A_69 = arith.constant 0 : index
    %get3A_70 = vector.load %arg6[%get3A_68, %get3A_69] : memref<1x128xf32, #tpu.memory_space<vmem>>, vector<1x128xf32>
    %add3A_71 = vector.broadcast %get3A_70 : vector<1x128xf32> to vector<10000x128xf32>
    %add3A_72 = arith.addf %add3A_67, %add3A_71 : vector<10000x128xf32>
    %swap3A = arith.constant 0 : index
    %swap3A_73 = arith.constant 0 : index
    %swap3A_74 = vector.load %arg7[%swap3A, %swap3A_73] : memref<10000x128xf32, #tpu.memory_space<vmem>>, vector<10000x128xf32>
    tpu.vector_store %arg7[%swap3A, %swap3A_73], %add3A_72 {strides = array<i32>} : memref<10000x128xf32, #tpu.memory_space<vmem>>, vector<10000x128xf32>,
    return
  }
}

module attributes {stable_mosaic.version = 14 : i64} {
  func.func @_tc_layer_body(%arg0: memref<10000x128xf32, #tpu.memory_space<vmem>>, %arg1: memref<20224x128xf32, #tpu.memory_space<vmem>>, %arg2: memref<20224x128xf32, #tpu.memory_space<vmem>>, %arg3: memref<256x128xf32, #tpu.memory_space<vmem>>, %arg4: memref<1x128xf32, #tpu.memory_space<vmem>>, %arg5: memref<1x128xf32, #tpu.memory_space<vmem>>, %arg6: memref<1x128xf32, #tpu.memory_space<vmem>>, %arg7: memref<10000x128xf32, #tpu.memory_space<vmem>>) attributes {dimension_semantics = [], scalar_prefetch = 0 : i64, scratch_operands = 0 : i64, tpu.core_type = #tpu.core_type<tc>} {
    %get3A = arith.constant 0 : index
    %get3A_0 = arith.constant 0 : index
    %get3A_1 = vector.load %arg0[%get3A, %get3A_0] : memref<10000x128xf32, #tpu.memory_space<vmem>>, vector<10000x128xf32>
    %get3A_2 = arith.constant 0 : index
    %get3A_3 = arith.constant 0 : index
    %get3A_4 = vector.load %arg1[%get3A_2, %get3A_3] : memref<20224x128xf32, #tpu.memory_space<vmem>>, vector<10000x128xf32>
    %get3A_5 = arith.constant 10112 : index
    %get3A_6 = arith.constant 0 : index
    %get3A_7 = vector.load %arg1[%get3A_5, %get3A_6] : memref<20224x128xf32, #tpu.memory_space<vmem>>, vector<10000x128xf32>
    %add3A = arith.addf %get3A_4, %get3A_7 : vector<10000x128xf32>
    %get3A_8 = arith.constant 0 : index
    %get3A_9 = arith.constant 0 : index
    %get3A_10 = vector.load %arg2[%get3A_8, %get3A_9] : memref<20224x128xf32, #tpu.memory_space<vmem>>, vector<10000x128xf32>
    %get3A_11 = arith.constant 10112 : index
    %get3A_12 = arith.constant 0 : index
    %get3A_13 = vector.load %arg2[%get3A_11, %get3A_12] : memref<20224x128xf32, #tpu.memory_space<vmem>>, vector<10000x128xf32>
    %add3A_14 = arith.addf %get3A_10, %get3A_13 : vector<10000x128xf32>
    %max3A = arith.constant 1.000000e+00 : f32
    %max3A_15 = vector.broadcast %max3A : f32 to vector<10000x128xf32>
    %max3A_16 = arith.maximumf %add3A_14, %max3A_15 : vector<10000x128xf32>
    %div3A = arith.constant 1.000000e+00 : f32
    %div3A_17 = vector.broadcast %div3A : f32 to vector<10000x128xf32>
    %div3A_18 = arith.divf %div3A_17, %max3A_16 : vector<10000x128xf32>
    %get3A_19 = arith.constant 0 : index
    %get3A_20 = arith.constant 0 : index
    %get3A_21 = vector.load %arg3[%get3A_19, %get3A_20] : memref<256x128xf32, #tpu.memory_space<vmem>>, vector<256x128xf32>
    %slice3A = vector.extract_strided_slice %get3A_21 {offsets = [0, 0], sizes = [128, 128], strides = [1, 1]} : vector<256x128xf32> to vector<128x128xf32>
    %dot_general3A = arith.constant dense<0.000000e+00> : vector<10000x128xf32>
    %dot_general3A_22 = tpu.matmul %get3A_1, %slice3A, %dot_general3A {dimension_numbers = #tpu.dot_dimension_numbers<[1], [0], [0], [1], [0, 0, 1, 1], [], []>, transpose_lhs_hint = false} : vector<10000x128xf32>, vector<128x128xf32>, vector<10000x128xf32> -> vector<10000x128xf32>
    %mul3A = arith.mulf %add3A, %div3A_18 : vector<10000x128xf32>
    %slice3A_23 = vector.extract_strided_slice %get3A_21 {offsets = [128, 0], sizes = [128, 128], strides = [1, 1]} : vector<256x128xf32> to vector<128x128xf32>
    %dot_general3A_24 = arith.constant dense<0.000000e+00> : vector<10000x128xf32>
    %dot_general3A_25 = tpu.matmul %mul3A, %slice3A_23, %dot_general3A_24 {dimension_numbers = #tpu.dot_dimension_numbers<[1], [0], [0], [1], [0, 0, 1, 1], [], []>, transpose_lhs_hint = false} : vector<10000x128xf32>, vector<128x128xf32>, vector<10000x128xf32> -> vector<10000x128xf32>
    %add3A_26 = arith.addf %dot_general3A_22, %dot_general3A_25 : vector<10000x128xf32>
    %get3A_27 = arith.constant 0 : index
    %get3A_28 = arith.constant 0 : index
    %get3A_29 = vector.load %arg4[%get3A_27, %get3A_28] : memref<1x128xf32, #tpu.memory_space<vmem>>, vector<1x128xf32>
    %add3A_30 = vector.broadcast %get3A_29 : vector<1x128xf32> to vector<10000x128xf32>
    %add3A_31 = arith.addf %add3A_26, %add3A_30 : vector<10000x128xf32>
    %mul3A_32 = arith.mulf %add3A_31, %add3A_31 : vector<10000x128xf32>
    %reduce_sum3A = arith.constant dense<0.000000e+00> : vector<10000xf32>
    %reduce_sum3A_33 = vector.multi_reduction <add>, %mul3A_32, %reduce_sum3A [1] : vector<10000x128xf32> to vector<10000xf32>
    %broadcast_in_dim3A = vector.shape_cast %reduce_sum3A_33 : vector<10000xf32> to vector<10000x1xf32>
    %sqrt3A = math.sqrt %broadcast_in_dim3A : vector<10000x1xf32>
    %max3A_34 = arith.constant 9.99999996E-13 : f32
    %max3A_35 = vector.broadcast %max3A_34 : f32 to vector<10000x1xf32>
    %max3A_36 = arith.maximumf %sqrt3A, %max3A_35 : vector<10000x1xf32>
    %div3A_37 = vector.broadcast %max3A_36 : vector<10000x1xf32> to vector<10000x128xf32>
    %div3A_38 = arith.divf %add3A_31, %div3A_37 : vector<10000x128xf32>
    %max3A_39 = arith.constant 0.000000e+00 : f32
    %max3A_40 = vector.broadcast %max3A_39 : f32 to vector<10000x128xf32>
    %max3A_41 = arith.maximumf %div3A_38, %max3A_40 : vector<10000x128xf32>
    %reduce_sum3A_42 = arith.constant dense<0.000000e+00> : vector<128xf32>
    %reduce_sum3A_43 = vector.multi_reduction <add>, %max3A_41, %reduce_sum3A_42 [0] : vector<10000x128xf32> to vector<128xf32>
    %broadcast_in_dim3A_44 = vector.shape_cast %reduce_sum3A_43 : vector<128xf32> to vector<1x128xf32>
    %div3A_45 = arith.constant 1.000000e+04 : f32
    %div3A_46 = vector.broadcast %div3A_45 : f32 to vector<1x128xf32>
    %div3A_47 = arith.divf %broadcast_in_dim3A_44, %div3A_46 : vector<1x128xf32>
    %sub3A = vector.broadcast %div3A_47 : vector<1x128xf32> to vector<10000x128xf32>
    %sub3A_48 = arith.subf %max3A_41, %sub3A : vector<10000x128xf32>
    %integer_pow3A = arith.mulf %sub3A_48, %sub3A_48 : vector<10000x128xf32>
    %reduce_sum3A_49 = arith.constant dense<0.000000e+00> : vector<128xf32>
    %reduce_sum3A_50 = vector.multi_reduction <add>, %integer_pow3A, %reduce_sum3A_49 [0] : vector<10000x128xf32> to vector<128xf32>
    %broadcast_in_dim3A_51 = vector.shape_cast %reduce_sum3A_50 : vector<128xf32> to vector<1x128xf32>
    %div3A_52 = arith.constant 1.000000e+04 : f32
    %div3A_53 = vector.broadcast %div3A_52 : f32 to vector<1x128xf32>
    %div3A_54 = arith.divf %broadcast_in_dim3A_51, %div3A_53 : vector<1x128xf32>
    %sub3A_55 = vector.broadcast %div3A_47 : vector<1x128xf32> to vector<10000x128xf32>
    %sub3A_56 = arith.subf %max3A_41, %sub3A_55 : vector<10000x128xf32>
    %add3A_57 = arith.constant 9.99999974E-6 : f32
    %add3A_58 = vector.broadcast %add3A_57 : f32 to vector<1x128xf32>
    %add3A_59 = arith.addf %div3A_54, %add3A_58 : vector<1x128xf32>
    %rsqrt3A = math.rsqrt %add3A_59 : vector<1x128xf32>
    %mul3A_60 = vector.broadcast %rsqrt3A : vector<1x128xf32> to vector<10000x128xf32>
    %mul3A_61 = arith.mulf %sub3A_56, %mul3A_60 : vector<10000x128xf32>
    %get3A_62 = arith.constant 0 : index
    %get3A_63 = arith.constant 0 : index
    %get3A_64 = vector.load %arg5[%get3A_62, %get3A_63] : memref<1x128xf32, #tpu.memory_space<vmem>>, vector<1x128xf32>
    %mul3A_65 = vector.broadcast %get3A_64 : vector<1x128xf32> to vector<10000x128xf32>
    %mul3A_66 = arith.mulf %mul3A_61, %mul3A_65 : vector<10000x128xf32>
    %add3A_67 = arith.addf %get3A_1, %mul3A_66 : vector<10000x128xf32>
    %get3A_68 = arith.constant 0 : index
    %get3A_69 = arith.constant 0 : index
    %get3A_70 = vector.load %arg6[%get3A_68, %get3A_69] : memref<1x128xf32, #tpu.memory_space<vmem>>, vector<1x128xf32>
    %add3A_71 = vector.broadcast %get3A_70 : vector<1x128xf32> to vector<10000x128xf32>
    %add3A_72 = arith.addf %add3A_67, %add3A_71 : vector<10000x128xf32>
    %swap3A = arith.constant 0 : index
    %swap3A_73 = arith.constant 0 : index
    %swap3A_74 = vector.load %arg7[%swap3A, %swap3A_73] : memref<10000x128xf32, #tpu.memory_space<vmem>>, vector<10000x128xf32>
    tpu.vector_store %arg7[%swap3A, %swap3A_73], %add3A_72 {strides = array<i32>} : memref<10000x128xf32, #tpu.memory_space<vmem>>, vector<10000x128xf32>,
    return
  }
}

</mosaic_0001>

<sc_bundles>
// kernel: kernel.10.cloned.1.call-start
scs
__scs_entry_jumppad:
0x0: {  	(pc) =	sbr.rel $0x88, $3  }
0x1: {  	(tag) =	ssettag $0x0;
	lr =	simm.s32 $0x1  }
0x2: {  	[smem:$0x3F99] =	sst lr;
	_ =	strace $0xD0000000  }
0x3: {  	_ = 	snop  }
0x4: {  	_ = 	snop  }
0x5: {  	_ = 	snop  }
0x6: {  	_ = 	snop  }
0x7: {  	_ = 	snop  }
__scs_overlays_trampoline_lowered:
0x8: {  	[smem:$0x3FA8] =	sst s0  }
0x9: {  	[smem:$0x3FA9] =	sst s1  }
0xa: {  	[smem:$0x3FAA] =	sst s2  }
0xb: {  	[smem:$0x3FAB] =	sst s3  }
0xc: {  	[smem:$0x3FAC] =	sst s4  }
0xd: {  	[smem:$0x3FAD] =	sst s5  }
0xe: {  	[smem:$0x3FAE] =	sst s6  }
0xf: {  	[smem:$0x3FAF] =	sst s7  }
0x10: {  	[smem:$0x3FB0] =	sst s8  }
0x11: {  	[smem:$0x3FB1] =	sst s9;
	s0 =	simm.s32 @!p0 $0x0  }
0x12: {  	s1 =	sld [smem:$0x3F97];
	s0 =	simm.s32 @p0 $0x1  }
0x13: {  	[smem:$0x3FB2] =	sst s0;
	s0 =	simm.s32 @!p1 $0x0  }
0x14: {  	s2 =	sld [smem:$0x3F96];
	s0 =	simm.s32 @p1 $0x1  }
0x15: {  	[smem:$0x3FB3] =	sst s0;
	s0 =	simm.s32 @!p2 $0x0  }
0x16: {  	s3 =	sld [smem:$0x3FDB];
	s0 =	simm.s32 @p2 $0x1  }
0x17: {  	s4 =	simm.s32 $0x1BF5;
	[smem:$0x3FB5] =	sst s0  }
0x18: {  	s0 =	sld [smem:$0x3F98];
	_ =	swait.ge [sflag:s4], $0x0  }
0x19: {  	s7 =	sld [smem:$0x3F99]  }
0x1a: {  	s8 =	sadd.s32 $0xFFFFE003, lr  }
0x1b: {  	s9 =	sadd.s32 $0xFFFFFEF7, lr;
	s5 =	simm.s32 $0xFFFFFFFF;
	p2 =	slt.u32 s8, $0xFFFFF086  }
0x1c: {  	p1 =	slt.u32 s9, $0xF7A;
	s5 =	simm.s32 @!p2 $0x0  }
0x1d: {  	s5 =	simm.s32 @p1 $0x1;
	p0 =	seq.s32 s7, s2  }
0x1e: {  	s7 =	smul.u32 @!p0 $0xF7A, s2;
	p2 =	seq.s32 @!p0 s5, $0x0  }
0x1f: {  	s9 =	smul.u32 $0xF7A, s1;
	s8 =	simm.s32 @!p0 $0x1BF5;
	p2 =	por !p2, p0  }
0x20: {  	[sflag:s8] =	ssyncset.s32 @!p0 $0xFFFFF086;
	s6 =	sadd.s32 @!p0 s3, s7;
	s7 =	simm.s32 @!p0 $0x108  }
0x21: {  	s3 =	sadd.s32 s3, s9;
	s6 =	sadd.s32 @!p0 $0x88, s6;
	s7 =	simm.s32 @p2 $0x1082  }
0x22: {  	[simem:s7], [sflag:s8] =	dma.local @!p0 [hbm:s6], $0xF7A  }
0x23: {  	s9 =	sor.u32 $0xD0000000, s2;
	s6 =	simm.s32 $0x108;
	_ =	swait.ge @!p0 [sflag:s8], $0x0  }
0x24: {  	s3 =	sadd.s32 $0x88, s3;
	s6 =	simm.s32 @!p1 $0x1082;
	[sflag:s4] =	ssyncset.s32 $0xFFFFF086  }
0x25: {  	[simem:s6], [sflag:s4] =	dma.local [hbm:s3], $0xF7A  }
0x26: {  	[smem:$0x3F99] =	sst s1;
	(tag) =	ssettag s2;
	_ =	strace s9  }
0x27: {  	s1 =	sld [smem:$0x3FA9]  }
0x28: {  	s2 =	sld [smem:$0x3FAA]  }
0x29: {  	s4 =	sld [smem:$0x3FAC]  }
0x2a: {  	p0 =	seq.s32 s5, $0x0;
	s5 =	sld [smem:$0x3FAD]  }
0x2b: {  	s6 =	sld [smem:$0x3FAE]  }
0x2c: {  	s7 =	sld [smem:$0x3FAF]  }
0x2d: {  	s3 =	simm.s32 $0x108;
	s8 =	sld [smem:$0x3FB0]  }
0x2e: {  	s3 =	simm.s32 @!p0 $0x1082;
	s9 =	sld [smem:$0x3FB1]  }
0x2f: {  	lr =	sadd.s32 s0, s3;
	s0 =	sld [smem:$0x3FA8]  }
0x30: {  	s3 =	sld [smem:$0x3FAB]  }
0x31: {  	[smem:$0x3FB4] =	sst s10  }
0x32: {  	s10 =	sld [smem:$0x3FB2];
	_ =	sdelay $0x3  }
0x33: {  	p0 =	seq.s32 s10, $0x1;
	s10 =	sld [smem:$0x3FB4];
	_ =	sdelay $0x3  }
0x34: {  	[smem:$0x3FB4] =	sst s10  }
0x35: {  	s10 =	sld [smem:$0x3FB3];
	_ =	sdelay $0x3  }
0x36: {  	p1 =	seq.s32 s10, $0x1;
	s10 =	sld [smem:$0x3FB4];
	_ =	sdelay $0x3  }
0x37: {  	[smem:$0x3FB4] =	sst s10  }
0x38: {  	s10 =	sld [smem:$0x3FB5]  }
0x39: {  	_ = 	snop;
	(pc) =	sbr.ind lr, $3  }
0x3a: {  	_ = 	snop  }
0x3b: {  	_ = 	snop  }
0x3c: {  	p2 =	seq.s32 s10, $0x1;
	s10 =	sld [smem:$0x3FB4]  }
0x3d: {  	_ =	shalt  }
0x3e: {  	_ =	shalt  }
0x3f: {  	_ =	shalt  }
0x40: {  	_ =	shalt  }
0x41: {  	_ =	shalt  }
0x42: {  	_ =	shalt  }
0x43: {  	_ =	shalt  }
0x44: {  	_ =	shalt  }
0x45: {  	_ =	shalt  }
0x46: {  	_ =	shalt  }
0x47: {  	_ =	shalt  }
0x48: {  	_ =	shalt  }
0x49: {  	_ =	shalt  }
0x4a: {  	_ =	shalt  }
0x4b: {  	_ =	shalt  }
0x4c: {  	_ =	shalt  }
0x4d: {  	_ =	shalt  }
0x4e: {  	_ =	shalt  }
0x4f: {  	_ =	shalt  }
0x50: {  	_ =	shalt  }
0x51: {  	_ =	shalt  }
0x52: {  	_ =	shalt  }
0x53: {  	_ =	shalt  }
0x54: {  	_ =	shalt  }
0x55: {  	_ =	shalt  }
0x56: {  	_ =	shalt  }
0x57: {  	_ =	shalt  }
0x58: {  	_ =	shalt  }
0x59: {  	_ =	shalt  }
0x5a: {  	_ =	shalt  }
0x5b: {  	_ =	shalt  }
0x5c: {  	_ =	shalt  }
0x5d: {  	_ =	shalt  }
0x5e: {  	_ =	shalt  }
0x5f: {  	_ =	shalt  }
0x60: {  	_ =	shalt  }
0x61: {  	_ =	shalt  }
0x62: {  	_ =	shalt  }
0x63: {  	_ =	shalt  }
0x64: {  	_ =	shalt  }
0x65: {  	_ =	shalt  }
0x66: {  	_ =	shalt  }
0x67: {  	_ =	shalt  }
0x68: {  	_ =	shalt  }
0x69: {  	_ =	shalt  }
0x6a: {  	_ =	shalt  }
0x6b: {  	_ =	shalt  }
0x6c: {  	_ =	shalt  }
0x6d: {  	_ =	shalt  }
0x6e: {  	_ =	shalt  }
0x6f: {  	_ =	shalt  }
0x70: {  	_ =	shalt  }
0x71: {  	_ =	shalt  }
0x72: {  	_ =	shalt  }
0x73: {  	_ =	shalt  }
0x74: {  	_ =	shalt  }
0x75: {  	_ =	shalt  }
0x76: {  	_ =	shalt  }
0x77: {  	_ =	shalt  }
0x78: {  	_ =	shalt  }
0x79: {  	_ =	shalt  }
0x7a: {  	_ =	shalt  }
0x7b: {  	_ =	shalt  }
0x7c: {  	_ =	shalt  }
0x7d: {  	_ =	shalt  }
0x7e: {  	_ =	shalt  }
0x7f: {  	_ =	shalt  }
0x80: {  	_ =	shalt  }
0x81: {  	_ =	shalt  }
0x82: {  	_ =	shalt  }
0x83: {  	_ =	shalt  }
0x84: {  	_ =	shalt  }
0x85: {  	_ =	shalt  }
0x86: {  	_ =	shalt  }
0x87: {  	_ =	shalt  }
.Lfunc_end0:
.L_simem_size_0:
called_computation_lowered:
.L_overlay_start_0:
0x88: {  	s2 =	sld [smem:$0x3FD9]  }
0x89: {  	s3 =	sld [smem:$0x3FFE];
	_ =	sdelay $0x1  }
0x8a: {  	s1 =	srdreg.scid  }
0x8b: {  	s0 =	sand.u32 $0x1, s1  }
0x8c: {  	s16 =	sshll.u32 s0, $0xA;
	s2 =	sadd.s32 s3, s2  }
0x8d: {  	s2 =	sadd.s32 s2, s16  }
0x8e: {  	[smem:$0x3FC0] =	sst s2  }
0x8f: {  	_ = 	snop  }
0x90: {  	(tm) =	ssettm $0x1  }
0x91: {  	s17 =	sld [smem:$0x3FFB];
	_ =	sdelay $0x3  }
0x92: {  	_ =	strace s17  }
0x93: {  	s2 =	sld [smem:$0x3FFC];
	_ =	sdelay $0x3  }
0x94: {  	_ =	strace s2  }
0x95: {  	s2 =	sld [smem:$0x3FFD];
	_ =	sdelay $0x3  }
0x96: {  	_ =	strace s2  }
0x97: {  	_ =	strace $0x8FFFFFFF  }
0x98: {  	s18 =	sld [smem:$0x3FDB];
	_ =	sdelay $0x1  }
0x99: {  	s19 =	simm.s32 $_scs_section_size  }
0x9a: {  	s4 =	simm.s32 $_size__tile_overlayer_lowered;
	s5 =	simm.s32 $_tile_overlayer_lowered  }
0x9b: {  	s22 =	simm.s32 $0x1BFF;
	s21 =	sshll.u32 s5, $0x1;
	s2 =	sadd.s32 s19, s18  }
0x9c: {  	s6 =	simm.s32 $0x0;
	s20 =	sshll.u32 s4, $0x1;
	s4 =	sadd.s32 s21, s2  }
0x9d: {  	[timem:s6], [sflag:s22] =	dma.local [hbm:s4], s20  }
0x9e: {  	_ =	swait.ge [sflag:s22], s20  }
0x9f: {  	s3 =	ssub.s32 $0x0, s20;
	[sflag:s22] =	ssyncset.done $0x0  }
0xa0: {  	[sflag:s22] =	ssyncadd.s32 s3;
	_ =	sdelay $0x1  }
0xa1: {  	s23 =	simm.s32 $0x1B8B  }
0xa2: {  	_ =	swait.ge [sflag:s23], $0x1  }
0xa3: {  	[sflag:s23] =	ssyncset.done $0x0  }
0xa4: {  	s25 =	simm.s32 $0x1B8E;
	s24 =	sld [smem:$0x3FFE];
	[sflag:s23] =	ssyncadd.s32 $0xFFFFFFFF  }
0xa5: {  	s26 =	simm.s32 $execute0_lowered;
	[smem:$0x3FD2] =	sst s25  }
0xa6: {  	s4 =	sshll.u32 s26, $0x1;
	_ =	strace $0x80000046;
	[dreg:$0x1] =	wrdreg $0xFFFFFFFF  }
0xa7: {  	s28 =	simm.s32 $_size_execute0_lowered;
	s2 =	sadd.s32 s2, s4;
	[dreg:$0x0] =	wrdreg $0x0  }
0xa8: {  	s4 =	sshll.u32 s28, $0x1;
	[dreg:$0x2] =	wrdreg s2  }
0xa9: {  	[dreg:$0x3] =	wrdreg s4  }
0xaa: {  	[dreg:$0x4] =	wrdreg $0xC0  }
0xab: {  	_ =	task [dreg:s6], $0x5FFFF  }
0xac: {  	[dreg:$0x1] =	wrdreg $0xFFFFFFFF  }
0xad: {  	[dreg:$0x0] =	wrdreg $0x60  }
0xae: {  	[dreg:$0x2] =	wrdreg s24  }
0xaf: {  	[dreg:$0x3] =	wrdreg $0x68000  }
0xb0: {  	[dreg:$0x4] =	wrdreg $0x9  }
0xb1: {  	_ =	task.clear_ibuf [dreg:s6], $0x5FFFF;
	_ =	strace $0x90000046  }
0xb2: {  	s29 =	simm.s32 $0x9;
	_ =	strace $0x80000048  }
0xb3: {  	_ =	swait.ge [sflag:s29], $0x1  }
0xb4: {  	[sflag:s29] =	ssyncadd.s32 $0xFFFFFFFF  }
0xb5: {  	_ =	strace $0x90000048  }
0xb6: {  	_ =	sfence  }
0xb7: {  	s30 =	sld [smem:$0x0];
	_ =	sdelay $0x2  }
0xb8: {  	s31 =	sshll.u32 s1, $0xD;
	s1 =	sshrl.u32 s1, $0x2  }
0xb9: {  	s3 =	sand.u32 $0x4000, s31;
	s1 =	sadd.s32 s1, s30  }
0xba: {  	s0 =	sor.u32 s3, s0;
	s1 =	sshll.u32 s1, $0x11  }
0xbb: {  	s0 =	sor.u32 s1, s0  }
0xbc: {  	s0 =	sadd.s32 $0x8F2B, s0  }
0xbd: {  	[sflag:s0] =	ssyncadd.remote.s32 $0x1  }
0xbe: {  	_ =	sfence.sel $0xFFFF  }
0xbf: {  	[dreg:$0x0] =	wrdreg $0xFFFFFFFF;
	(pc) =	sbr.abs _section_cstart, $3  }
0xc0: {  	[dreg:$0x1] =	wrdreg $0xFFFFFFFF  }
0xc1: {  	_ =	task.clear_ibuf [dreg:s6], $0x2FFFF;
	_ =	strace $0x9FFFFFFF  }
0xc2: {  	(tm) =	ssettm $0x7FFFFFFF  }
0xc3: {  	_ =	shalt  }
tec
execute0_lowered:
.L_overlay_start_1:
0x0: {  	(tag) =	ssettag $0x1  }
0x1: {  	s5 =	rddreg [dreg:$0x0]  }
0x2: {  	s2 =	rddreg [dreg:$0x1]  }
0x3: {  	s0 =	rddreg [dreg:$0x2];
	s3 =	simm.s32 $0x0  }
0x4: {  	s1 =	stileid.u32;
	s4 =	srdreg.scid;
	s14 =	simm.s32 $0x1  }
0x5: {  	s15 =	simm.s32 $0x0;
	[smem:$0x7FF] =	sst s3;
	s6 =	sshll.u32 s1, $0xB  }
0x6: {  	s7 =	smul.u32 $0x2780, s1;
	s8 =	sand.u32 $0x1, s4;
	s4 =	sadd.s32 $0x13400, s5  }
0x7: {  	s11 =	smul.u32 $0x4F000, s1;
	s30 =	sshll.u32 s1, $0x6;
	_ =	strace $0x80000047  }
0x8: {  	s9 =	sadd.s32 s6, s5;
	s26 =	smul.u32 $0x27800, s8;
	s10 =	ssub.s32 $0x2, s8  }
0x9: {  	s31 =	sshll.u32 s8, $0xF;
	s12 =	sadd.s32 s7, s5;
	s28 =	sshrl.u32 s10, $0x1  }
0xa: {  	s29 =	sshrl.u32 s11, $0x2;
	s6 =	sadd.s32 s7, s26;
	s10 =	ssub.s32 s10, s28  }
0xb: {  	s11 =	sadd.s32 s29, s2;
	s7 =	sadd.s32 s31, s9;
	s13 =	sadd.s32 s6, s5  }
0xc: {  	s5 =	sadd.s32 $0x13A00, s12;
	s6 =	sor.u32 $0x1C02, s30;
	s7 =	sadd.s32 $0x3400, s7  }
0xd: {  	s9 =	smax.u32 s10, $0x1;
	s10 =	sshrl.u32 s11, $0x3;
	s11 =	simm.s32 $0x2  }
0xe: {  	s12 =	simm.s32 $0x4000;
	s8 =	sadd.s32 $0x3B200, s13;
	s13 =	simm.s32 $0x50  }
.LBB2_1:
0xf: {  	[spmem:s10], [sflag:s6] =	dma.local [hbm:s5], $0x2780  }
0x10: {  	_ =	swait.ge [sflag:s11], $0x2780  }
0x11: {  	[sflag:s11] =	ssyncset.done $0x0  }
0x12: {  	[sflag:s11] =	ssyncadd.s32 $0xFFFFD880  }
0x13: {  	[tilespmem:s12], [sflag:$0x2] =	stream.linear.gather [hbm4b:s4+s3], $0x2800, $0x38;
	[tilespmem:$0x1A400] =	vst v63  }
0x14: {  	_ =	swait.ge [sflag:s11], $0x2800  }
0x15: {  	[sflag:s11] =	ssyncset.done $0x0  }
0x16: {  	[sflag:s11] =	ssyncadd.s32 $0xFFFFD800  }
0x17: {  	[tilespmem:s3], [sflag:$0x2] =	stream.linear.gather [hbm4b:s7+s3], $0x3E80, $0x38;
	[tilespmem:$0x1A400] =	vst v63  }
0x18: {  	_ =	swait.ge [sflag:s11], $0x3E80  }
0x19: {  	[sflag:s11] =	ssyncset.done $0x0  }
0x1a: {  	[sflag:s11] =	ssyncadd.s32 $0xFFFFC180  }
0x1b: {  	[bflag:$0x0] =	sbarrier.arrive $0xFFFF  }
0x1c: {  	[spmem:s2] =	stream.indirect.scatter.add.f32 [tilespmem:s12], [sflag:$0x1], $0x80, s3, s13, $0xb8;
	[tilespmem:$0x1A400] =	vst v63  }
0x1d: {  	s16 =	simm.s32 $0x80  }
0x1e: {  	[spmem:s2] =	stream.indirect.scatter.add.f32 [tilespmem:s12], [sflag:$0x1], $0x80, s16, s13, $0xb8;
	[tilespmem:$0x1A400] =	vst v63  }
0x1f: {  	_ =	swait.ge [sflag:s14], $0x2800  }
0x20: {  	s16 =	simm.s32 $0x400;
	[sflag:s14] =	ssyncset.done $0x0  }
.LBB2_2:
0x21: {  	s17 =	sshra.s32 s16, $0x2;
	[sflag:s14] =	ssyncadd.s32 $0xFFFFD800;
	p0 =	sne.s32 s16, $0xF800  }
0x22: {  	[spmem:s2] =	stream.indirect.scatter.add.f32 [tilespmem:s12], [sflag:$0x1], $0x80, s17, s13, $0xb8;
	[tilespmem:$0x1A400] =	vst v63  }
.Ltmp0:
0x23: {  	_ = 	snop;
	(pc) =	sbr.rel @p0 .LBB2_2-.Ltmp0, $4  }
0x24: {  	_ = 	snop  }
0x25: {  	s16 =	sadd.s32 $0x200, s16  }
0x26: {  	_ =	swait.ge [sflag:s14], $0x2800  }
0x27: {  	[sflag:s14] =	ssyncset.done $0x0  }
0x28: {  	[sflag:s14] =	ssyncadd.s32 $0xFFFFD800  }
0x29: {  	_ =	swait.ge [sflag:s14], $0x2800  }
0x2a: {  	s15 =	sadd.s32 $0x1, s15;
	[sflag:s14] =	ssyncset.done $0x0  }
0x2b: {  	p0 =	sne.s32 s15, s9;
	[sflag:s14] =	ssyncadd.s32 $0xFFFFD800  }
.Ltmp1:
0x2c: {  	[bflag:$0x0] =	sbarrier.arrive $0xFFFF;
	(pc) =	sbr.rel @p0 .LBB2_1-.Ltmp1, $4  }
0x2d: {  	[hbm:s8], [sflag:s6] =	dma.local [spmem:s10], $0x2780  }
0x2e: {  	_ =	swait.ge [sflag:s11], $0x2780  }
0x2f: {  	[sflag:s11] =	ssyncset.done $0x0  }
0x30: {  	[sflag:s11] =	ssyncadd.s32 $0xFFFFD880  }
0x31: {  	_ =	sfence.sel $0x180000  }
0x32: {  	[bflag:$0x0] =	sbarrier.arrive $0xFFFF  }
0x33: {  	p0 =	sne.s32 s1, $0x0;
	_ =	strace $0x90000047  }
0x34: {  	s0 =	sadd.s32 @!p0 $0x100000, s0;
	[bflag:$0x2] =	sbarrier.arrive $0xFFFF  }
0x35: {  	[sflag:s0] =	ssyncadd.tile.s32 @!p0 $0x1;
	_ =	shalt  }
.Lfunc_end2:
_tile_overlayer_lowered:
.L_overlay_start_2:
0x36: {  	(tag) =	ssettag $0x2  }
0x37: {  	s0 =	rddreg [dreg:$0x0];
	s2 =	stileid.u32  }
0x38: {  	s1 =	rddreg [dreg:$0x1];
	p0 =	sne.s32 s2, $0x0  }
0x39: {  	s3 =	rddreg [dreg:$0x2];
	[bflag:$0x3] =	sbarrier.arrive $0xFFFF;
	s2 =	simm.s32 @!p0 $0x1C02  }
0x3a: {  	[timem:s3], [sflag:s2] =	dma.local @!p0 [hbm:s0], s1  }
0x3b: {  	s0 =	simm.s32 @!p0 $0x2  }
0x3c: {  	_ =	swait.ge @!p0 [sflag:s0], s1  }
0x3d: {  	s1 =	ssub.s32 @!p0 $0x0, s1;
	[sflag:s0] =	ssyncset.done @!p0 $0x0  }
0x3e: {  	[sflag:s0] =	ssyncadd.s32 @!p0 s1  }
0x3f: {  	[bflag:$0x3] =	sbarrier.arrive $0xFFFF  }
0x40: {  	_ =	shalt  }

// kernel: kernel.13.cloned.1.call-start
scs
__scs_entry_jumppad:
0x0: {  	(pc) =	sbr.rel $0x88, $3  }
0x1: {  	(tag) =	ssettag $0x0;
	lr =	simm.s32 $0x1  }
0x2: {  	[smem:$0x3F99] =	sst lr;
	_ =	strace $0xD0000000  }
0x3: {  	_ = 	snop  }
0x4: {  	_ = 	snop  }
0x5: {  	_ = 	snop  }
0x6: {  	_ = 	snop  }
0x7: {  	_ = 	snop  }
__scs_overlays_trampoline_lowered:
0x8: {  	[smem:$0x3FA8] =	sst s0  }
0x9: {  	[smem:$0x3FA9] =	sst s1  }
0xa: {  	[smem:$0x3FAA] =	sst s2  }
0xb: {  	[smem:$0x3FAB] =	sst s3  }
0xc: {  	[smem:$0x3FAC] =	sst s4  }
0xd: {  	[smem:$0x3FAD] =	sst s5  }
0xe: {  	[smem:$0x3FAE] =	sst s6  }
0xf: {  	[smem:$0x3FAF] =	sst s7  }
0x10: {  	[smem:$0x3FB0] =	sst s8  }
0x11: {  	[smem:$0x3FB1] =	sst s9;
	s0 =	simm.s32 @!p0 $0x0  }
0x12: {  	s1 =	sld [smem:$0x3F97];
	s0 =	simm.s32 @p0 $0x1  }
0x13: {  	[smem:$0x3FB2] =	sst s0;
	s0 =	simm.s32 @!p1 $0x0  }
0x14: {  	s2 =	sld [smem:$0x3F96];
	s0 =	simm.s32 @p1 $0x1  }
0x15: {  	[smem:$0x3FB3] =	sst s0;
	s0 =	simm.s32 @!p2 $0x0  }
0x16: {  	s3 =	sld [smem:$0x3FDB];
	s0 =	simm.s32 @p2 $0x1  }
0x17: {  	s4 =	simm.s32 $0x1BF5;
	[smem:$0x3FB5] =	sst s0  }
0x18: {  	s0 =	sld [smem:$0x3F98];
	_ =	swait.ge [sflag:s4], $0x0  }
0x19: {  	s7 =	sld [smem:$0x3F99]  }
0x1a: {  	s8 =	sadd.s32 $0xFFFFE003, lr  }
0x1b: {  	s9 =	sadd.s32 $0xFFFFFEF7, lr;
	s5 =	simm.s32 $0xFFFFFFFF;
	p2 =	slt.u32 s8, $0xFFFFF086  }
0x1c: {  	p1 =	slt.u32 s9, $0xF7A;
	s5 =	simm.s32 @!p2 $0x0  }
0x1d: {  	s5 =	simm.s32 @p1 $0x1;
	p0 =	seq.s32 s7, s2  }
0x1e: {  	s7 =	smul.u32 @!p0 $0xF7A, s2;
	p2 =	seq.s32 @!p0 s5, $0x0  }
0x1f: {  	s9 =	smul.u32 $0xF7A, s1;
	s8 =	simm.s32 @!p0 $0x1BF5;
	p2 =	por !p2, p0  }
0x20: {  	[sflag:s8] =	ssyncset.s32 @!p0 $0xFFFFF086;
	s6 =	sadd.s32 @!p0 s3, s7;
	s7 =	simm.s32 @!p0 $0x108  }
0x21: {  	s3 =	sadd.s32 s3, s9;
	s6 =	sadd.s32 @!p0 $0x88, s6;
	s7 =	simm.s32 @p2 $0x1082  }
0x22: {  	[simem:s7], [sflag:s8] =	dma.local @!p0 [hbm:s6], $0xF7A  }
0x23: {  	s9 =	sor.u32 $0xD0000000, s2;
	s6 =	simm.s32 $0x108;
	_ =	swait.ge @!p0 [sflag:s8], $0x0  }
0x24: {  	s3 =	sadd.s32 $0x88, s3;
	s6 =	simm.s32 @!p1 $0x1082;
	[sflag:s4] =	ssyncset.s32 $0xFFFFF086  }
0x25: {  	[simem:s6], [sflag:s4] =	dma.local [hbm:s3], $0xF7A  }
0x26: {  	[smem:$0x3F99] =	sst s1;
	(tag) =	ssettag s2;
	_ =	strace s9  }
0x27: {  	s1 =	sld [smem:$0x3FA9]  }
0x28: {  	s2 =	sld [smem:$0x3FAA]  }
0x29: {  	s4 =	sld [smem:$0x3FAC]  }
0x2a: {  	p0 =	seq.s32 s5, $0x0;
	s5 =	sld [smem:$0x3FAD]  }
0x2b: {  	s6 =	sld [smem:$0x3FAE]  }
0x2c: {  	s7 =	sld [smem:$0x3FAF]  }
0x2d: {  	s3 =	simm.s32 $0x108;
	s8 =	sld [smem:$0x3FB0]  }
0x2e: {  	s3 =	simm.s32 @!p0 $0x1082;
	s9 =	sld [smem:$0x3FB1]  }
0x2f: {  	lr =	sadd.s32 s0, s3;
	s0 =	sld [smem:$0x3FA8]  }
0x30: {  	s3 =	sld [smem:$0x3FAB]  }
0x31: {  	[smem:$0x3FB4] =	sst s10  }
0x32: {  	s10 =	sld [smem:$0x3FB2];
	_ =	sdelay $0x3  }
0x33: {  	p0 =	seq.s32 s10, $0x1;
	s10 =	sld [smem:$0x3FB4];
	_ =	sdelay $0x3  }
0x34: {  	[smem:$0x3FB4] =	sst s10  }
0x35: {  	s10 =	sld [smem:$0x3FB3];
	_ =	sdelay $0x3  }
0x36: {  	p1 =	seq.s32 s10, $0x1;
	s10 =	sld [smem:$0x3FB4];
	_ =	sdelay $0x3  }
0x37: {  	[smem:$0x3FB4] =	sst s10  }
0x38: {  	s10 =	sld [smem:$0x3FB5]  }
0x39: {  	_ = 	snop;
	(pc) =	sbr.ind lr, $3  }
0x3a: {  	_ = 	snop  }
0x3b: {  	_ = 	snop  }
0x3c: {  	p2 =	seq.s32 s10, $0x1;
	s10 =	sld [smem:$0x3FB4]  }
0x3d: {  	_ =	shalt  }
0x3e: {  	_ =	shalt  }
0x3f: {  	_ =	shalt  }
0x40: {  	_ =	shalt  }
0x41: {  	_ =	shalt  }
0x42: {  	_ =	shalt  }
0x43: {  	_ =	shalt  }
0x44: {  	_ =	shalt  }
0x45: {  	_ =	shalt  }
0x46: {  	_ =	shalt  }
0x47: {  	_ =	shalt  }
0x48: {  	_ =	shalt  }
0x49: {  	_ =	shalt  }
0x4a: {  	_ =	shalt  }
0x4b: {  	_ =	shalt  }
0x4c: {  	_ =	shalt  }
0x4d: {  	_ =	shalt  }
0x4e: {  	_ =	shalt  }
0x4f: {  	_ =	shalt  }
0x50: {  	_ =	shalt  }
0x51: {  	_ =	shalt  }
0x52: {  	_ =	shalt  }
0x53: {  	_ =	shalt  }
0x54: {  	_ =	shalt  }
0x55: {  	_ =	shalt  }
0x56: {  	_ =	shalt  }
0x57: {  	_ =	shalt  }
0x58: {  	_ =	shalt  }
0x59: {  	_ =	shalt  }
0x5a: {  	_ =	shalt  }
0x5b: {  	_ =	shalt  }
0x5c: {  	_ =	shalt  }
0x5d: {  	_ =	shalt  }
0x5e: {  	_ =	shalt  }
0x5f: {  	_ =	shalt  }
0x60: {  	_ =	shalt  }
0x61: {  	_ =	shalt  }
0x62: {  	_ =	shalt  }
0x63: {  	_ =	shalt  }
0x64: {  	_ =	shalt  }
0x65: {  	_ =	shalt  }
0x66: {  	_ =	shalt  }
0x67: {  	_ =	shalt  }
0x68: {  	_ =	shalt  }
0x69: {  	_ =	shalt  }
0x6a: {  	_ =	shalt  }
0x6b: {  	_ =	shalt  }
0x6c: {  	_ =	shalt  }
0x6d: {  	_ =	shalt  }
0x6e: {  	_ =	shalt  }
0x6f: {  	_ =	shalt  }
0x70: {  	_ =	shalt  }
0x71: {  	_ =	shalt  }
0x72: {  	_ =	shalt  }
0x73: {  	_ =	shalt  }
0x74: {  	_ =	shalt  }
0x75: {  	_ =	shalt  }
0x76: {  	_ =	shalt  }
0x77: {  	_ =	shalt  }
0x78: {  	_ =	shalt  }
0x79: {  	_ =	shalt  }
0x7a: {  	_ =	shalt  }
0x7b: {  	_ =	shalt  }
0x7c: {  	_ =	shalt  }
0x7d: {  	_ =	shalt  }
0x7e: {  	_ =	shalt  }
0x7f: {  	_ =	shalt  }
0x80: {  	_ =	shalt  }
0x81: {  	_ =	shalt  }
0x82: {  	_ =	shalt  }
0x83: {  	_ =	shalt  }
0x84: {  	_ =	shalt  }
0x85: {  	_ =	shalt  }
0x86: {  	_ =	shalt  }
0x87: {  	_ =	shalt  }
.Lfunc_end0:
.L_simem_size_0:
called_computation.1_lowered:
.L_overlay_start_0:
0x88: {  	s2 =	sld [smem:$0x3FD9]  }
0x89: {  	s3 =	sld [smem:$0x3FFE];
	_ =	sdelay $0x1  }
0x8a: {  	s1 =	srdreg.scid  }
0x8b: {  	s0 =	sand.u32 $0x1, s1  }
0x8c: {  	s17 =	sshll.u32 s0, $0xA;
	s2 =	sadd.s32 s3, s2  }
0x8d: {  	s2 =	sadd.s32 s2, s17  }
0x8e: {  	[smem:$0x3FC0] =	sst s2  }
0x8f: {  	_ = 	snop  }
0x90: {  	s2 =	sld [smem:$0x3FD0];
	(tm) =	ssettm $0x1  }
0x91: {  	s18 =	sld [smem:$0x3FFB];
	_ =	sdelay $0x3  }
0x92: {  	_ =	strace s18  }
0x93: {  	s3 =	sld [smem:$0x3FFC];
	_ =	sdelay $0x3  }
0x94: {  	_ =	strace s3  }
0x95: {  	s3 =	sld [smem:$0x3FFD];
	_ =	sdelay $0x3  }
0x96: {  	_ =	strace s3  }
0x97: {  	_ =	strace $0x8FFFFFFF  }
0x98: {  	s19 =	sld [smem:$0x3FDB];
	_ =	sdelay $0x1  }
0x99: {  	s4 =	simm.s32 $_scs_section_size  }
0x9a: {  	s5 =	simm.s32 $_size__tile_overlayer_lowered;
	s6 =	simm.s32 $_tile_overlayer_lowered  }
0x9b: {  	s22 =	simm.s32 $0x1BFF;
	s21 =	sshll.u32 s6, $0x1;
	s3 =	sadd.s32 s4, s19  }
0x9c: {  	s7 =	simm.s32 $0x0;
	s20 =	sshll.u32 s5, $0x1;
	s5 =	sadd.s32 s21, s3  }
0x9d: {  	[timem:s7], [sflag:s22] =	dma.local [hbm:s5], s20  }
0x9e: {  	_ =	swait.ge [sflag:s22], s20  }
0x9f: {  	s4 =	ssub.s32 $0x0, s20;
	[sflag:s22] =	ssyncset.done $0x0  }
0xa0: {  	[sflag:s22] =	ssyncadd.s32 s4;
	_ =	sdelay $0x1  }
0xa1: {  	s23 =	simm.s32 $0x1B8B  }
0xa2: {  	_ =	swait.ge [sflag:s23], $0x1  }
0xa3: {  	[sflag:s23] =	ssyncset.done $0x0  }
0xa4: {  	s25 =	simm.s32 $0x1B8E;
	s24 =	sld [smem:$0x3FFE];
	[sflag:s23] =	ssyncadd.s32 $0xFFFFFFFF  }
0xa5: {  	s26 =	simm.s32 $execute0_lowered;
	[smem:$0x3FD2] =	sst s25  }
0xa6: {  	s5 =	sshll.u32 s26, $0x1;
	_ =	strace $0x80000049;
	[dreg:$0x1] =	wrdreg $0xFFFFFFFF  }
0xa7: {  	s28 =	simm.s32 $_size_execute0_lowered;
	s3 =	sadd.s32 s3, s5;
	[dreg:$0x0] =	wrdreg $0x0  }
0xa8: {  	s5 =	sshll.u32 s28, $0x1;
	[dreg:$0x2] =	wrdreg s3  }
0xa9: {  	[dreg:$0x3] =	wrdreg s5  }
0xaa: {  	[dreg:$0x4] =	wrdreg $0xC0  }
0xab: {  	_ =	task [dreg:s7], $0x5FFFF  }
0xac: {  	[dreg:$0x1] =	wrdreg $0xFFFFFFFF  }
0xad: {  	[dreg:$0x0] =	wrdreg $0x60  }
0xae: {  	[dreg:$0x2] =	wrdreg s24  }
0xaf: {  	[dreg:$0x3] =	wrdreg s2  }
0xb0: {  	[dreg:$0x4] =	wrdreg $0xA8000  }
0xb1: {  	[dreg:$0x5] =	wrdreg $0x9  }
0xb2: {  	_ =	task.clear_ibuf [dreg:s7], $0x6FFFF;
	_ =	strace $0x90000049  }
0xb3: {  	s29 =	simm.s32 $0x9;
	_ =	strace $0x8000004B  }
0xb4: {  	_ =	swait.ge [sflag:s29], $0x1  }
0xb5: {  	[sflag:s29] =	ssyncadd.s32 $0xFFFFFFFF  }
0xb6: {  	_ =	strace $0x9000004B  }
0xb7: {  	_ =	sfence  }
0xb8: {  	s30 =	sld [smem:$0x0];
	_ =	sdelay $0x2  }
0xb9: {  	s31 =	sshll.u32 s1, $0xD;
	s1 =	sshrl.u32 s1, $0x2  }
0xba: {  	s3 =	sand.u32 $0x4000, s31;
	s1 =	sadd.s32 s1, s30  }
0xbb: {  	s0 =	sor.u32 s3, s0;
	s1 =	sshll.u32 s1, $0x11  }
0xbc: {  	s0 =	sor.u32 s1, s0  }
0xbd: {  	s0 =	sadd.s32 $0x8F2B, s0  }
0xbe: {  	[sflag:s0] =	ssyncadd.remote.s32 $0x1  }
0xbf: {  	_ =	sfence.sel $0xFFFF  }
0xc0: {  	[dreg:$0x0] =	wrdreg $0xFFFFFFFF;
	(pc) =	sbr.abs _section_cstart, $3  }
0xc1: {  	[dreg:$0x1] =	wrdreg $0xFFFFFFFF  }
0xc2: {  	_ =	task.clear_ibuf [dreg:s7], $0x2FFFF;
	_ =	strace $0x9FFFFFFF  }
0xc3: {  	(tm) =	ssettm $0x7FFFFFFF  }
tec
execute0_lowered:
.L_overlay_start_1:
0x0: {  	(tag) =	ssettag $0x1  }
0x1: {  	s5 =	rddreg [dreg:$0x0]  }
0x2: {  	s1 =	rddreg [dreg:$0x1]  }
0x3: {  	s2 =	rddreg [dreg:$0x2]  }
0x4: {  	s0 =	rddreg [dreg:$0x3];
	s4 =	simm.s32 $0x0;
	s6 =	srdreg.scid  }
0x5: {  	s3 =	stileid.u32;
	s15 =	simm.s32 $0x8000;
	s16 =	simm.s32 $0x1  }
0x6: {  	s17 =	simm.s32 $0x0;
	[smem:$0x7FF] =	sst s4;
	s9 =	smul.u32 $0x2780, s3  }
0x7: {  	s6 =	sand.u32 $0x1, s6;
	s8 =	sshll.u32 s3, $0xB;
	s28 =	smul.u32 $0x4F000, s3  }
0x8: {  	s31 =	sshll.u32 s3, $0x6;
	s7 =	sshll.u32 s6, $0xF;
	_ =	strace $0x8000004A  }
0x9: {  	s26 =	smul.u32 $0x27800, s6;
	s6 =	ssub.s32 $0x2, s6;
	s7 =	sor.u32 s8, s7  }
0xa: {  	s11 =	sadd.s32 s9, s5;
	s29 =	sshrl.u32 s6, $0x1;
	s30 =	sshrl.u32 s28, $0x2  }
0xb: {  	s10 =	sadd.s32 s7, s5;
	s8 =	sadd.s32 s9, s26;
	s13 =	ssub.s32 s6, s29  }
0xc: {  	s14 =	sadd.s32 s30, s2;
	s6 =	sor.u32 $0x1C02, s31;
	s12 =	sadd.s32 s8, s5  }
0xd: {  	s5 =	sadd.s32 $0x13400, s11;
	s7 =	sadd.s32 $0x8A200, s10;
	s8 =	sadd.s32 $0x3400, s10  }
0xe: {  	s10 =	smax.u32 s13, $0x1;
	s11 =	sshrl.u32 s14, $0x3;
	s13 =	simm.s32 $0x4000  }
0xf: {  	s14 =	simm.s32 $0x50;
	s9 =	sadd.s32 $0x9A200, s12;
	s12 =	simm.s32 $0x2  }
.LBB2_1:
0x10: {  	[spmem:s11], [sflag:s6] =	dma.local [hbm:s5], $0x2780  }
0x11: {  	_ =	swait.ge [sflag:s12], $0x2780  }
0x12: {  	[sflag:s12] =	ssyncset.done $0x0  }
0x13: {  	[sflag:s12] =	ssyncadd.s32 $0xFFFFD880  }
0x14: {  	[tilespmem:s4], [sflag:$0x2] =	stream.linear.gather [hbm4b:s7+s4], $0x3E80, $0x38;
	[tilespmem:$0x1E400] =	vst v63  }
0x15: {  	_ =	swait.ge [sflag:s12], $0x3E80  }
0x16: {  	[sflag:s12] =	ssyncset.done $0x0  }
0x17: {  	[sflag:s12] =	ssyncadd.s32 $0xFFFFC180  }
0x18: {  	[tilespmem:s13], [sflag:$0x2] =	stream.linear.gather [hbm4b:s8+s4], $0x3E80, $0x38;
	[tilespmem:$0x1E400] =	vst v63  }
0x19: {  	_ =	swait.ge [sflag:s12], $0x3E80  }
0x1a: {  	[sflag:s12] =	ssyncset.done $0x0  }
0x1b: {  	[sflag:s12] =	ssyncadd.s32 $0xFFFFC180  }
0x1c: {  	s18 =	simm.s32 $0x0;
	[bflag:$0x0] =	sbarrier.arrive $0xFFFF  }
0x1d: {  	[tilespmem:s15], [sflag:$0x1] =	stream.indirect.gather [hbm4b:s1+s14], $0x80, s18, s14, $0xb8;
	[tilespmem:$0x1E400] =	vst v63  }
0x1e: {  	_ =	swait.ge [sflag:s16], $0x2800  }
0x1f: {  	[sflag:s16] =	ssyncset.done $0x0  }
0x20: {  	s31 =	simm.s32 $0x4000;
	[sflag:s16] =	ssyncadd.s32 $0xFFFFD800  }
0x21: {  	[spmem:s2] =	stream.indirect.scatter.add.f32 [tilespmem:s15], [sflag:$0x2], $0x80, s31, s14, $0xb8;
	[tilespmem:$0x1E400] =	vst v63  }
0x22: {  	_ =	swait.ge [sflag:s12], $0x2800  }
0x23: {  	s19 =	simm.s32 $0x400;
	s18 =	simm.s32 $0x200;
	[sflag:s12] =	ssyncset.done $0x0  }
.LBB2_2:
0x24: {  	s20 =	sshra.s32 s18, $0x2  }
0x25: {  	[sflag:s12] =	ssyncadd.s32 $0xFFFFD800;
	s18 =	smov.u32 s19;
	s21 =	sadd.s32 $0x200, s19  }
0x26: {  	[tilespmem:s15], [sflag:$0x1] =	stream.indirect.gather [hbm4b:s1+s14], $0x80, s20, s14, $0xb8;
	[tilespmem:$0x1E400] =	vst v63  }
0x27: {  	p0 =	sne.s32 s19, $0xF800;
	_ =	swait.ge [sflag:s16], $0x2800  }
.Ltmp0:
0x28: {  	[sflag:s16] =	ssyncset.done $0x0;
	(pc) =	sbr.rel @p0 .LBB2_2-.Ltmp0, $4  }
0x29: {  	s19 =	sadd.s32 $0x4000, s20;
	[sflag:s16] =	ssyncadd.s32 $0xFFFFD800  }
0x2a: {  	[spmem:s2] =	stream.indirect.scatter.add.f32 [tilespmem:s15], [sflag:$0x2], $0x80, s19, s14, $0xb8;
	[tilespmem:$0x1E400] =	vst v63  }
0x2b: {  	_ =	swait.ge [sflag:s12], $0x2800  }
0x2c: {  	s19 =	smov.u32 s21;
	[sflag:s12] =	ssyncset.done $0x0  }
0x2d: {  	s18 =	sshra.s32 s18, $0x2;
	[sflag:s12] =	ssyncadd.s32 $0xFFFFD800  }
0x2e: {  	[tilespmem:s15], [sflag:$0x1] =	stream.indirect.gather [hbm4b:s1+s14], $0x80, s18, s14, $0xb8;
	[tilespmem:$0x1E400] =	vst v63  }
0x2f: {  	_ =	swait.ge [sflag:s16], $0x2800  }
0x30: {  	[sflag:s16] =	ssyncset.done $0x0  }
0x31: {  	s18 =	sadd.s32 $0x4000, s18;
	[sflag:s16] =	ssyncadd.s32 $0xFFFFD800  }
0x32: {  	[spmem:s2] =	stream.indirect.scatter.add.f32 [tilespmem:s15], [sflag:$0x2], $0x80, s18, s14, $0xb8;
	[tilespmem:$0x1E400] =	vst v63  }
0x33: {  	_ =	swait.ge [sflag:s12], $0x2800  }
0x34: {  	s17 =	sadd.s32 $0x1, s17;
	[sflag:s12] =	ssyncset.done $0x0  }
0x35: {  	p0 =	sne.s32 s17, s10;
	[sflag:s12] =	ssyncadd.s32 $0xFFFFD800  }
.Ltmp1:
0x36: {  	[bflag:$0x0] =	sbarrier.arrive $0xFFFF;
	(pc) =	sbr.rel @p0 .LBB2_1-.Ltmp1, $4  }
0x37: {  	[hbm:s9], [sflag:s6] =	dma.local [spmem:s11], $0x2780  }
0x38: {  	_ =	swait.ge [sflag:s12], $0x2780  }
0x39: {  	[sflag:s12] =	ssyncset.done $0x0  }
0x3a: {  	[sflag:s12] =	ssyncadd.s32 $0xFFFFD880  }
0x3b: {  	_ =	sfence.sel $0x180000  }
0x3c: {  	[bflag:$0x0] =	sbarrier.arrive $0xFFFF  }
0x3d: {  	p0 =	sne.s32 s3, $0x0;
	_ =	strace $0x9000004A  }
0x3e: {  	s0 =	sadd.s32 @!p0 $0x100000, s0;
	[bflag:$0x2] =	sbarrier.arrive $0xFFFF  }
0x3f: {  	[sflag:s0] =	ssyncadd.tile.s32 @!p0 $0x1;
	_ =	shalt  }
.Lfunc_end2:
_tile_overlayer_lowered:
.L_overlay_start_2:
0x40: {  	(tag) =	ssettag $0x2  }
0x41: {  	s0 =	rddreg [dreg:$0x0];
	s2 =	stileid.u32  }
0x42: {  	s1 =	rddreg [dreg:$0x1];
	p0 =	sne.s32 s2, $0x0  }
0x43: {  	s3 =	rddreg [dreg:$0x2];
	[bflag:$0x3] =	sbarrier.arrive $0xFFFF;
	s2 =	simm.s32 @!p0 $0x1C02  }
0x44: {  	[timem:s3], [sflag:s2] =	dma.local @!p0 [hbm:s0], s1  }
0x45: {  	s0 =	simm.s32 @!p0 $0x2  }
0x46: {  	_ =	swait.ge @!p0 [sflag:s0], s1  }
0x47: {  	s1 =	ssub.s32 @!p0 $0x0, s1;
	[sflag:s0] =	ssyncset.done @!p0 $0x0  }
0x48: {  	[sflag:s0] =	ssyncadd.s32 @!p0 s1  }
0x49: {  	[bflag:$0x3] =	sbarrier.arrive $0xFFFF  }
0x4a: {  	_ =	shalt  }

// kernel: kernel.16.cloned.1.call-start
scs
__scs_entry_jumppad:
0x0: {  	(pc) =	sbr.rel $0x88, $3  }
0x1: {  	(tag) =	ssettag $0x0;
	lr =	simm.s32 $0x1  }
0x2: {  	[smem:$0x3F99] =	sst lr;
	_ =	strace $0xD0000000  }
0x3: {  	_ = 	snop  }
0x4: {  	_ = 	snop  }
0x5: {  	_ = 	snop  }
0x6: {  	_ = 	snop  }
0x7: {  	_ = 	snop  }
__scs_overlays_trampoline_lowered:
0x8: {  	[smem:$0x3FA8] =	sst s0  }
0x9: {  	[smem:$0x3FA9] =	sst s1  }
0xa: {  	[smem:$0x3FAA] =	sst s2  }
0xb: {  	[smem:$0x3FAB] =	sst s3  }
0xc: {  	[smem:$0x3FAC] =	sst s4  }
0xd: {  	[smem:$0x3FAD] =	sst s5  }
0xe: {  	[smem:$0x3FAE] =	sst s6  }
0xf: {  	[smem:$0x3FAF] =	sst s7  }
0x10: {  	[smem:$0x3FB0] =	sst s8  }
0x11: {  	[smem:$0x3FB1] =	sst s9;
	s0 =	simm.s32 @!p0 $0x0  }
0x12: {  	s1 =	sld [smem:$0x3F97];
	s0 =	simm.s32 @p0 $0x1  }
0x13: {  	[smem:$0x3FB2] =	sst s0;
	s0 =	simm.s32 @!p1 $0x0  }
0x14: {  	s2 =	sld [smem:$0x3F96];
	s0 =	simm.s32 @p1 $0x1  }
0x15: {  	[smem:$0x3FB3] =	sst s0;
	s0 =	simm.s32 @!p2 $0x0  }
0x16: {  	s3 =	sld [smem:$0x3FDB];
	s0 =	simm.s32 @p2 $0x1  }
0x17: {  	s4 =	simm.s32 $0x1BF5;
	[smem:$0x3FB5] =	sst s0  }
0x18: {  	s0 =	sld [smem:$0x3F98];
	_ =	swait.ge [sflag:s4], $0x0  }
0x19: {  	s7 =	sld [smem:$0x3F99]  }
0x1a: {  	s8 =	sadd.s32 $0xFFFFE003, lr  }
0x1b: {  	s9 =	sadd.s32 $0xFFFFFEF7, lr;
	s5 =	simm.s32 $0xFFFFFFFF;
	p2 =	slt.u32 s8, $0xFFFFF086  }
0x1c: {  	p1 =	slt.u32 s9, $0xF7A;
	s5 =	simm.s32 @!p2 $0x0  }
0x1d: {  	s5 =	simm.s32 @p1 $0x1;
	p0 =	seq.s32 s7, s2  }
0x1e: {  	s7 =	smul.u32 @!p0 $0xF7A, s2;
	p2 =	seq.s32 @!p0 s5, $0x0  }
0x1f: {  	s9 =	smul.u32 $0xF7A, s1;
	s8 =	simm.s32 @!p0 $0x1BF5;
	p2 =	por !p2, p0  }
0x20: {  	[sflag:s8] =	ssyncset.s32 @!p0 $0xFFFFF086;
	s6 =	sadd.s32 @!p0 s3, s7;
	s7 =	simm.s32 @!p0 $0x108  }
0x21: {  	s3 =	sadd.s32 s3, s9;
	s6 =	sadd.s32 @!p0 $0x88, s6;
	s7 =	simm.s32 @p2 $0x1082  }
0x22: {  	[simem:s7], [sflag:s8] =	dma.local @!p0 [hbm:s6], $0xF7A  }
0x23: {  	s9 =	sor.u32 $0xD0000000, s2;
	s6 =	simm.s32 $0x108;
	_ =	swait.ge @!p0 [sflag:s8], $0x0  }
0x24: {  	s3 =	sadd.s32 $0x88, s3;
	s6 =	simm.s32 @!p1 $0x1082;
	[sflag:s4] =	ssyncset.s32 $0xFFFFF086  }
0x25: {  	[simem:s6], [sflag:s4] =	dma.local [hbm:s3], $0xF7A  }
0x26: {  	[smem:$0x3F99] =	sst s1;
	(tag) =	ssettag s2;
	_ =	strace s9  }
0x27: {  	s1 =	sld [smem:$0x3FA9]  }
0x28: {  	s2 =	sld [smem:$0x3FAA]  }
0x29: {  	s4 =	sld [smem:$0x3FAC]  }
0x2a: {  	p0 =	seq.s32 s5, $0x0;
	s5 =	sld [smem:$0x3FAD]  }
0x2b: {  	s6 =	sld [smem:$0x3FAE]  }
0x2c: {  	s7 =	sld [smem:$0x3FAF]  }
0x2d: {  	s3 =	simm.s32 $0x108;
	s8 =	sld [smem:$0x3FB0]  }
0x2e: {  	s3 =	simm.s32 @!p0 $0x1082;
	s9 =	sld [smem:$0x3FB1]  }
0x2f: {  	lr =	sadd.s32 s0, s3;
	s0 =	sld [smem:$0x3FA8]  }
0x30: {  	s3 =	sld [smem:$0x3FAB]  }
0x31: {  	[smem:$0x3FB4] =	sst s10  }
0x32: {  	s10 =	sld [smem:$0x3FB2];
	_ =	sdelay $0x3  }
0x33: {  	p0 =	seq.s32 s10, $0x1;
	s10 =	sld [smem:$0x3FB4];
	_ =	sdelay $0x3  }
0x34: {  	[smem:$0x3FB4] =	sst s10  }
0x35: {  	s10 =	sld [smem:$0x3FB3];
	_ =	sdelay $0x3  }
0x36: {  	p1 =	seq.s32 s10, $0x1;
	s10 =	sld [smem:$0x3FB4];
	_ =	sdelay $0x3  }
0x37: {  	[smem:$0x3FB4] =	sst s10  }
0x38: {  	s10 =	sld [smem:$0x3FB5]  }
0x39: {  	_ = 	snop;
	(pc) =	sbr.ind lr, $3  }
0x3a: {  	_ = 	snop  }
0x3b: {  	_ = 	snop  }
0x3c: {  	p2 =	seq.s32 s10, $0x1;
	s10 =	sld [smem:$0x3FB4]  }
0x3d: {  	_ =	shalt  }
0x3e: {  	_ =	shalt  }
0x3f: {  	_ =	shalt  }
0x40: {  	_ =	shalt  }
0x41: {  	_ =	shalt  }
0x42: {  	_ =	shalt  }
0x43: {  	_ =	shalt  }
0x44: {  	_ =	shalt  }
0x45: {  	_ =	shalt  }
0x46: {  	_ =	shalt  }
0x47: {  	_ =	shalt  }
0x48: {  	_ =	shalt  }
0x49: {  	_ =	shalt  }
0x4a: {  	_ =	shalt  }
0x4b: {  	_ =	shalt  }
0x4c: {  	_ =	shalt  }
0x4d: {  	_ =	shalt  }
0x4e: {  	_ =	shalt  }
0x4f: {  	_ =	shalt  }
0x50: {  	_ =	shalt  }
0x51: {  	_ =	shalt  }
0x52: {  	_ =	shalt  }
0x53: {  	_ =	shalt  }
0x54: {  	_ =	shalt  }
0x55: {  	_ =	shalt  }
0x56: {  	_ =	shalt  }
0x57: {  	_ =	shalt  }
0x58: {  	_ =	shalt  }
0x59: {  	_ =	shalt  }
0x5a: {  	_ =	shalt  }
0x5b: {  	_ =	shalt  }
0x5c: {  	_ =	shalt  }
0x5d: {  	_ =	shalt  }
0x5e: {  	_ =	shalt  }
0x5f: {  	_ =	shalt  }
0x60: {  	_ =	shalt  }
0x61: {  	_ =	shalt  }
0x62: {  	_ =	shalt  }
0x63: {  	_ =	shalt  }
0x64: {  	_ =	shalt  }
0x65: {  	_ =	shalt  }
0x66: {  	_ =	shalt  }
0x67: {  	_ =	shalt  }
0x68: {  	_ =	shalt  }
0x69: {  	_ =	shalt  }
0x6a: {  	_ =	shalt  }
0x6b: {  	_ =	shalt  }
0x6c: {  	_ =	shalt  }
0x6d: {  	_ =	shalt  }
0x6e: {  	_ =	shalt  }
0x6f: {  	_ =	shalt  }
0x70: {  	_ =	shalt  }
0x71: {  	_ =	shalt  }
0x72: {  	_ =	shalt  }
0x73: {  	_ =	shalt  }
0x74: {  	_ =	shalt  }
0x75: {  	_ =	shalt  }
0x76: {  	_ =	shalt  }
0x77: {  	_ =	shalt  }
0x78: {  	_ =	shalt  }
0x79: {  	_ =	shalt  }
0x7a: {  	_ =	shalt  }
0x7b: {  	_ =	shalt  }
0x7c: {  	_ =	shalt  }
0x7d: {  	_ =	shalt  }
0x7e: {  	_ =	shalt  }
0x7f: {  	_ =	shalt  }
0x80: {  	_ =	shalt  }
0x81: {  	_ =	shalt  }
0x82: {  	_ =	shalt  }
0x83: {  	_ =	shalt  }
0x84: {  	_ =	shalt  }
0x85: {  	_ =	shalt  }
0x86: {  	_ =	shalt  }
0x87: {  	_ =	shalt  }
.Lfunc_end0:
.L_simem_size_0:
called_computation.2_lowered:
.L_overlay_start_0:
0x88: {  	s2 =	sld [smem:$0x3FD9]  }
0x89: {  	s3 =	sld [smem:$0x3FFE];
	_ =	sdelay $0x1  }
0x8a: {  	s1 =	srdreg.scid  }
0x8b: {  	s0 =	sand.u32 $0x1, s1  }
0x8c: {  	s17 =	sshll.u32 s0, $0xA;
	s2 =	sadd.s32 s3, s2  }
0x8d: {  	s2 =	sadd.s32 s2, s17  }
0x8e: {  	[smem:$0x3FC0] =	sst s2  }
0x8f: {  	_ = 	snop  }
0x90: {  	s2 =	sld [smem:$0x3FD0];
	(tm) =	ssettm $0x1  }
0x91: {  	s18 =	sld [smem:$0x3FFB];
	_ =	sdelay $0x3  }
0x92: {  	_ =	strace s18  }
0x93: {  	s3 =	sld [smem:$0x3FFC];
	_ =	sdelay $0x3  }
0x94: {  	_ =	strace s3  }
0x95: {  	s3 =	sld [smem:$0x3FFD];
	_ =	sdelay $0x3  }
0x96: {  	_ =	strace s3  }
0x97: {  	_ =	strace $0x8FFFFFFF  }
0x98: {  	s19 =	sld [smem:$0x3FDB];
	_ =	sdelay $0x1  }
0x99: {  	s4 =	simm.s32 $_scs_section_size  }
0x9a: {  	s5 =	simm.s32 $_size__tile_overlayer_lowered;
	s6 =	simm.s32 $_tile_overlayer_lowered  }
0x9b: {  	s22 =	simm.s32 $0x1BFF;
	s21 =	sshll.u32 s6, $0x1;
	s3 =	sadd.s32 s4, s19  }
0x9c: {  	s7 =	simm.s32 $0x0;
	s20 =	sshll.u32 s5, $0x1;
	s5 =	sadd.s32 s21, s3  }
0x9d: {  	[timem:s7], [sflag:s22] =	dma.local [hbm:s5], s20  }
0x9e: {  	_ =	swait.ge [sflag:s22], s20  }
0x9f: {  	s4 =	ssub.s32 $0x0, s20;
	[sflag:s22] =	ssyncset.done $0x0  }
0xa0: {  	[sflag:s22] =	ssyncadd.s32 s4;
	_ =	sdelay $0x1  }
0xa1: {  	s23 =	simm.s32 $0x1B8B  }
0xa2: {  	_ =	swait.ge [sflag:s23], $0x1  }
0xa3: {  	[sflag:s23] =	ssyncset.done $0x0  }
0xa4: {  	s25 =	simm.s32 $0x1B8E;
	s24 =	sld [smem:$0x3FFE];
	[sflag:s23] =	ssyncadd.s32 $0xFFFFFFFF  }
0xa5: {  	s26 =	simm.s32 $execute0_lowered;
	[smem:$0x3FD2] =	sst s25  }
0xa6: {  	s5 =	sshll.u32 s26, $0x1;
	_ =	strace $0x8000004C;
	[dreg:$0x1] =	wrdreg $0xFFFFFFFF  }
0xa7: {  	s28 =	simm.s32 $_size_execute0_lowered;
	s3 =	sadd.s32 s3, s5;
	[dreg:$0x0] =	wrdreg $0x0  }
0xa8: {  	s5 =	sshll.u32 s28, $0x1;
	[dreg:$0x2] =	wrdreg s3  }
0xa9: {  	[dreg:$0x3] =	wrdreg s5  }
0xaa: {  	[dreg:$0x4] =	wrdreg $0xC0  }
0xab: {  	_ =	task [dreg:s7], $0x5FFFF  }
0xac: {  	[dreg:$0x1] =	wrdreg $0xFFFFFFFF  }
0xad: {  	[dreg:$0x0] =	wrdreg $0x60  }
0xae: {  	[dreg:$0x2] =	wrdreg s24  }
0xaf: {  	[dreg:$0x3] =	wrdreg s2  }
0xb0: {  	[dreg:$0x4] =	wrdreg $0xA8000  }
0xb1: {  	[dreg:$0x5] =	wrdreg $0x9  }
0xb2: {  	_ =	task.clear_ibuf [dreg:s7], $0x6FFFF;
	_ =	strace $0x9000004C  }
0xb3: {  	s29 =	simm.s32 $0x9;
	_ =	strace $0x8000004E  }
0xb4: {  	_ =	swait.ge [sflag:s29], $0x1  }
0xb5: {  	[sflag:s29] =	ssyncadd.s32 $0xFFFFFFFF  }
0xb6: {  	_ =	strace $0x9000004E  }
0xb7: {  	_ =	sfence  }
0xb8: {  	s30 =	sld [smem:$0x0];
	_ =	sdelay $0x2  }
0xb9: {  	s31 =	sshll.u32 s1, $0xD;
	s1 =	sshrl.u32 s1, $0x2  }
0xba: {  	s3 =	sand.u32 $0x4000, s31;
	s1 =	sadd.s32 s1, s30  }
0xbb: {  	s0 =	sor.u32 s3, s0;
	s1 =	sshll.u32 s1, $0x11  }
0xbc: {  	s0 =	sor.u32 s1, s0  }
0xbd: {  	s0 =	sadd.s32 $0x8F2B, s0  }
0xbe: {  	[sflag:s0] =	ssyncadd.remote.s32 $0x1  }
0xbf: {  	_ =	sfence.sel $0xFFFF  }
0xc0: {  	[dreg:$0x0] =	wrdreg $0xFFFFFFFF;
	(pc) =	sbr.abs _section_cstart, $3  }
0xc1: {  	[dreg:$0x1] =	wrdreg $0xFFFFFFFF  }
0xc2: {  	_ =	task.clear_ibuf [dreg:s7], $0x2FFFF;
	_ =	strace $0x9FFFFFFF  }
0xc3: {  	(tm) =	ssettm $0x7FFFFFFF  }
tec
execute0_lowered:
.L_overlay_start_1:
0x0: {  	(tag) =	ssettag $0x1  }
0x1: {  	s5 =	rddreg [dreg:$0x0]  }
0x2: {  	s1 =	rddreg [dreg:$0x1]  }
0x3: {  	s2 =	rddreg [dreg:$0x2]  }
0x4: {  	s0 =	rddreg [dreg:$0x3];
	s4 =	simm.s32 $0x0;
	s6 =	srdreg.scid  }
0x5: {  	s3 =	stileid.u32;
	s15 =	simm.s32 $0x8000;
	s16 =	simm.s32 $0x1  }
0x6: {  	s17 =	simm.s32 $0x0;
	[smem:$0x7FF] =	sst s4;
	s9 =	smul.u32 $0x2780, s3  }
0x7: {  	s6 =	sand.u32 $0x1, s6;
	s8 =	sshll.u32 s3, $0xB;
	s28 =	smul.u32 $0x4F000, s3  }
0x8: {  	s31 =	sshll.u32 s3, $0x6;
	s7 =	sshll.u32 s6, $0xF;
	_ =	strace $0x8000004D  }
0x9: {  	s26 =	smul.u32 $0x27800, s6;
	s6 =	ssub.s32 $0x2, s6;
	s7 =	sor.u32 s8, s7  }
0xa: {  	s11 =	sadd.s32 s9, s5;
	s29 =	sshrl.u32 s6, $0x1;
	s30 =	sshrl.u32 s28, $0x2  }
0xb: {  	s10 =	sadd.s32 s7, s5;
	s8 =	sadd.s32 s9, s26;
	s13 =	ssub.s32 s6, s29  }
0xc: {  	s14 =	sadd.s32 s30, s2;
	s6 =	sor.u32 $0x1C02, s31;
	s12 =	sadd.s32 s8, s5  }
0xd: {  	s5 =	sadd.s32 $0x13400, s11;
	s7 =	sadd.s32 $0x8A200, s10;
	s8 =	sadd.s32 $0x3400, s10  }
0xe: {  	s10 =	smax.u32 s13, $0x1;
	s11 =	sshrl.u32 s14, $0x3;
	s13 =	simm.s32 $0x4000  }
0xf: {  	s14 =	simm.s32 $0x50;
	s9 =	sadd.s32 $0x9A200, s12;
	s12 =	simm.s32 $0x2  }
.LBB2_1:
0x10: {  	[spmem:s11], [sflag:s6] =	dma.local [hbm:s5], $0x2780  }
0x11: {  	_ =	swait.ge [sflag:s12], $0x2780  }
0x12: {  	[sflag:s12] =	ssyncset.done $0x0  }
0x13: {  	[sflag:s12] =	ssyncadd.s32 $0xFFFFD880  }
0x14: {  	[tilespmem:s4], [sflag:$0x2] =	stream.linear.gather [hbm4b:s7+s4], $0x3E80, $0x38;
	[tilespmem:$0x1E400] =	vst v63  }
0x15: {  	_ =	swait.ge [sflag:s12], $0x3E80  }
0x16: {  	[sflag:s12] =	ssyncset.done $0x0  }
0x17: {  	[sflag:s12] =	ssyncadd.s32 $0xFFFFC180  }
0x18: {  	[tilespmem:s13], [sflag:$0x2] =	stream.linear.gather [hbm4b:s8+s4], $0x3E80, $0x38;
	[tilespmem:$0x1E400] =	vst v63  }
0x19: {  	_ =	swait.ge [sflag:s12], $0x3E80  }
0x1a: {  	[sflag:s12] =	ssyncset.done $0x0  }
0x1b: {  	[sflag:s12] =	ssyncadd.s32 $0xFFFFC180  }
0x1c: {  	s18 =	simm.s32 $0x0;
	[bflag:$0x0] =	sbarrier.arrive $0xFFFF  }
0x1d: {  	[tilespmem:s15], [sflag:$0x1] =	stream.indirect.gather [hbm4b:s1+s14], $0x80, s18, s14, $0xb8;
	[tilespmem:$0x1E400] =	vst v63  }
0x1e: {  	_ =	swait.ge [sflag:s16], $0x2800  }
0x1f: {  	[sflag:s16] =	ssyncset.done $0x0  }
0x20: {  	s31 =	simm.s32 $0x4000;
	[sflag:s16] =	ssyncadd.s32 $0xFFFFD800  }
0x21: {  	[spmem:s2] =	stream.indirect.scatter.add.f32 [tilespmem:s15], [sflag:$0x2], $0x80, s31, s14, $0xb8;
	[tilespmem:$0x1E400] =	vst v63  }
0x22: {  	_ =	swait.ge [sflag:s12], $0x2800  }
0x23: {  	s19 =	simm.s32 $0x400;
	s18 =	simm.s32 $0x200;
	[sflag:s12] =	ssyncset.done $0x0  }
.LBB2_2:
0x24: {  	s20 =	sshra.s32 s18, $0x2  }
0x25: {  	[sflag:s12] =	ssyncadd.s32 $0xFFFFD800;
	s18 =	smov.u32 s19;
	s21 =	sadd.s32 $0x200, s19  }
0x26: {  	[tilespmem:s15], [sflag:$0x1] =	stream.indirect.gather [hbm4b:s1+s14], $0x80, s20, s14, $0xb8;
	[tilespmem:$0x1E400] =	vst v63  }
0x27: {  	p0 =	sne.s32 s19, $0xF800;
	_ =	swait.ge [sflag:s16], $0x2800  }
.Ltmp0:
0x28: {  	[sflag:s16] =	ssyncset.done $0x0;
	(pc) =	sbr.rel @p0 .LBB2_2-.Ltmp0, $4  }
0x29: {  	s19 =	sadd.s32 $0x4000, s20;
	[sflag:s16] =	ssyncadd.s32 $0xFFFFD800  }
0x2a: {  	[spmem:s2] =	stream.indirect.scatter.add.f32 [tilespmem:s15], [sflag:$0x2], $0x80, s19, s14, $0xb8;
	[tilespmem:$0x1E400] =	vst v63  }
0x2b: {  	_ =	swait.ge [sflag:s12], $0x2800  }
0x2c: {  	s19 =	smov.u32 s21;
	[sflag:s12] =	ssyncset.done $0x0  }
0x2d: {  	s18 =	sshra.s32 s18, $0x2;
	[sflag:s12] =	ssyncadd.s32 $0xFFFFD800  }
0x2e: {  	[tilespmem:s15], [sflag:$0x1] =	stream.indirect.gather [hbm4b:s1+s14], $0x80, s18, s14, $0xb8;
	[tilespmem:$0x1E400] =	vst v63  }
0x2f: {  	_ =	swait.ge [sflag:s16], $0x2800  }
0x30: {  	[sflag:s16] =	ssyncset.done $0x0  }
0x31: {  	s18 =	sadd.s32 $0x4000, s18;
	[sflag:s16] =	ssyncadd.s32 $0xFFFFD800  }
0x32: {  	[spmem:s2] =	stream.indirect.scatter.add.f32 [tilespmem:s15], [sflag:$0x2], $0x80, s18, s14, $0xb8;
	[tilespmem:$0x1E400] =	vst v63  }
0x33: {  	_ =	swait.ge [sflag:s12], $0x2800  }
0x34: {  	s17 =	sadd.s32 $0x1, s17;
	[sflag:s12] =	ssyncset.done $0x0  }
0x35: {  	p0 =	sne.s32 s17, s10;
	[sflag:s12] =	ssyncadd.s32 $0xFFFFD800  }
.Ltmp1:
0x36: {  	[bflag:$0x0] =	sbarrier.arrive $0xFFFF;
	(pc) =	sbr.rel @p0 .LBB2_1-.Ltmp1, $4  }
0x37: {  	[hbm:s9], [sflag:s6] =	dma.local [spmem:s11], $0x2780  }
0x38: {  	_ =	swait.ge [sflag:s12], $0x2780  }
0x39: {  	[sflag:s12] =	ssyncset.done $0x0  }
0x3a: {  	[sflag:s12] =	ssyncadd.s32 $0xFFFFD880  }
0x3b: {  	_ =	sfence.sel $0x180000  }
0x3c: {  	[bflag:$0x0] =	sbarrier.arrive $0xFFFF  }
0x3d: {  	p0 =	sne.s32 s3, $0x0;
	_ =	strace $0x9000004D  }
0x3e: {  	s0 =	sadd.s32 @!p0 $0x100000, s0;
	[bflag:$0x2] =	sbarrier.arrive $0xFFFF  }
0x3f: {  	[sflag:s0] =	ssyncadd.tile.s32 @!p0 $0x1;
	_ =	shalt  }
.Lfunc_end2:
_tile_overlayer_lowered:
.L_overlay_start_2:
0x40: {  	(tag) =	ssettag $0x2  }
0x41: {  	s0 =	rddreg [dreg:$0x0];
	s2 =	stileid.u32  }
0x42: {  	s1 =	rddreg [dreg:$0x1];
	p0 =	sne.s32 s2, $0x0  }
0x43: {  	s3 =	rddreg [dreg:$0x2];
	[bflag:$0x3] =	sbarrier.arrive $0xFFFF;
	s2 =	simm.s32 @!p0 $0x1C02  }
0x44: {  	[timem:s3], [sflag:s2] =	dma.local @!p0 [hbm:s0], s1  }
0x45: {  	s0 =	simm.s32 @!p0 $0x2  }
0x46: {  	_ =	swait.ge @!p0 [sflag:s0], s1  }
0x47: {  	s1 =	ssub.s32 @!p0 $0x0, s1;
	[sflag:s0] =	ssyncset.done @!p0 $0x0  }
0x48: {  	[sflag:s0] =	ssyncadd.s32 @!p0 s1  }
0x49: {  	[bflag:$0x3] =	sbarrier.arrive $0xFFFF  }
0x4a: {  	_ =	shalt  }

// kernel: kernel.19.cloned.1.call-start
scs
__scs_entry_jumppad:
0x0: {  	(pc) =	sbr.rel $0x88, $3  }
0x1: {  	(tag) =	ssettag $0x0;
	lr =	simm.s32 $0x1  }
0x2: {  	[smem:$0x3F99] =	sst lr;
	_ =	strace $0xD0000000  }
0x3: {  	_ = 	snop  }
0x4: {  	_ = 	snop  }
0x5: {  	_ = 	snop  }
0x6: {  	_ = 	snop  }
0x7: {  	_ = 	snop  }
__scs_overlays_trampoline_lowered:
0x8: {  	[smem:$0x3FA8] =	sst s0  }
0x9: {  	[smem:$0x3FA9] =	sst s1  }
0xa: {  	[smem:$0x3FAA] =	sst s2  }
0xb: {  	[smem:$0x3FAB] =	sst s3  }
0xc: {  	[smem:$0x3FAC] =	sst s4  }
0xd: {  	[smem:$0x3FAD] =	sst s5  }
0xe: {  	[smem:$0x3FAE] =	sst s6  }
0xf: {  	[smem:$0x3FAF] =	sst s7  }
0x10: {  	[smem:$0x3FB0] =	sst s8  }
0x11: {  	[smem:$0x3FB1] =	sst s9;
	s0 =	simm.s32 @!p0 $0x0  }
0x12: {  	s1 =	sld [smem:$0x3F97];
	s0 =	simm.s32 @p0 $0x1  }
0x13: {  	[smem:$0x3FB2] =	sst s0;
	s0 =	simm.s32 @!p1 $0x0  }
0x14: {  	s2 =	sld [smem:$0x3F96];
	s0 =	simm.s32 @p1 $0x1  }
0x15: {  	[smem:$0x3FB3] =	sst s0;
	s0 =	simm.s32 @!p2 $0x0  }
0x16: {  	s3 =	sld [smem:$0x3FDB];
	s0 =	simm.s32 @p2 $0x1  }
0x17: {  	s4 =	simm.s32 $0x1BF5;
	[smem:$0x3FB5] =	sst s0  }
0x18: {  	s0 =	sld [smem:$0x3F98];
	_ =	swait.ge [sflag:s4], $0x0  }
0x19: {  	s7 =	sld [smem:$0x3F99]  }
0x1a: {  	s8 =	sadd.s32 $0xFFFFE003, lr  }
0x1b: {  	s9 =	sadd.s32 $0xFFFFFEF7, lr;
	s5 =	simm.s32 $0xFFFFFFFF;
	p2 =	slt.u32 s8, $0xFFFFF086  }
0x1c: {  	p1 =	slt.u32 s9, $0xF7A;
	s5 =	simm.s32 @!p2 $0x0  }
0x1d: {  	s5 =	simm.s32 @p1 $0x1;
	p0 =	seq.s32 s7, s2  }
0x1e: {  	s7 =	smul.u32 @!p0 $0xF7A, s2;
	p2 =	seq.s32 @!p0 s5, $0x0  }
0x1f: {  	s9 =	smul.u32 $0xF7A, s1;
	s8 =	simm.s32 @!p0 $0x1BF5;
	p2 =	por !p2, p0  }
0x20: {  	[sflag:s8] =	ssyncset.s32 @!p0 $0xFFFFF086;
	s6 =	sadd.s32 @!p0 s3, s7;
	s7 =	simm.s32 @!p0 $0x108  }
0x21: {  	s3 =	sadd.s32 s3, s9;
	s6 =	sadd.s32 @!p0 $0x88, s6;
	s7 =	simm.s32 @p2 $0x1082  }
0x22: {  	[simem:s7], [sflag:s8] =	dma.local @!p0 [hbm:s6], $0xF7A  }
0x23: {  	s9 =	sor.u32 $0xD0000000, s2;
	s6 =	simm.s32 $0x108;
	_ =	swait.ge @!p0 [sflag:s8], $0x0  }
0x24: {  	s3 =	sadd.s32 $0x88, s3;
	s6 =	simm.s32 @!p1 $0x1082;
	[sflag:s4] =	ssyncset.s32 $0xFFFFF086  }
0x25: {  	[simem:s6], [sflag:s4] =	dma.local [hbm:s3], $0xF7A  }
0x26: {  	[smem:$0x3F99] =	sst s1;
	(tag) =	ssettag s2;
	_ =	strace s9  }
0x27: {  	s1 =	sld [smem:$0x3FA9]  }
0x28: {  	s2 =	sld [smem:$0x3FAA]  }
0x29: {  	s4 =	sld [smem:$0x3FAC]  }
0x2a: {  	p0 =	seq.s32 s5, $0x0;
	s5 =	sld [smem:$0x3FAD]  }
0x2b: {  	s6 =	sld [smem:$0x3FAE]  }
0x2c: {  	s7 =	sld [smem:$0x3FAF]  }
0x2d: {  	s3 =	simm.s32 $0x108;
	s8 =	sld [smem:$0x3FB0]  }
0x2e: {  	s3 =	simm.s32 @!p0 $0x1082;
	s9 =	sld [smem:$0x3FB1]  }
0x2f: {  	lr =	sadd.s32 s0, s3;
	s0 =	sld [smem:$0x3FA8]  }
0x30: {  	s3 =	sld [smem:$0x3FAB]  }
0x31: {  	[smem:$0x3FB4] =	sst s10  }
0x32: {  	s10 =	sld [smem:$0x3FB2];
	_ =	sdelay $0x3  }
0x33: {  	p0 =	seq.s32 s10, $0x1;
	s10 =	sld [smem:$0x3FB4];
	_ =	sdelay $0x3  }
0x34: {  	[smem:$0x3FB4] =	sst s10  }
0x35: {  	s10 =	sld [smem:$0x3FB3];
	_ =	sdelay $0x3  }
0x36: {  	p1 =	seq.s32 s10, $0x1;
	s10 =	sld [smem:$0x3FB4];
	_ =	sdelay $0x3  }
0x37: {  	[smem:$0x3FB4] =	sst s10  }
0x38: {  	s10 =	sld [smem:$0x3FB5]  }
0x39: {  	_ = 	snop;
	(pc) =	sbr.ind lr, $3  }
0x3a: {  	_ = 	snop  }
0x3b: {  	_ = 	snop  }
0x3c: {  	p2 =	seq.s32 s10, $0x1;
	s10 =	sld [smem:$0x3FB4]  }
0x3d: {  	_ =	shalt  }
0x3e: {  	_ =	shalt  }
0x3f: {  	_ =	shalt  }
0x40: {  	_ =	shalt  }
0x41: {  	_ =	shalt  }
0x42: {  	_ =	shalt  }
0x43: {  	_ =	shalt  }
0x44: {  	_ =	shalt  }
0x45: {  	_ =	shalt  }
0x46: {  	_ =	shalt  }
0x47: {  	_ =	shalt  }
0x48: {  	_ =	shalt  }
0x49: {  	_ =	shalt  }
0x4a: {  	_ =	shalt  }
0x4b: {  	_ =	shalt  }
0x4c: {  	_ =	shalt  }
0x4d: {  	_ =	shalt  }
0x4e: {  	_ =	shalt  }
0x4f: {  	_ =	shalt  }
0x50: {  	_ =	shalt  }
0x51: {  	_ =	shalt  }
0x52: {  	_ =	shalt  }
0x53: {  	_ =	shalt  }
0x54: {  	_ =	shalt  }
0x55: {  	_ =	shalt  }
0x56: {  	_ =	shalt  }
0x57: {  	_ =	shalt  }
0x58: {  	_ =	shalt  }
0x59: {  	_ =	shalt  }
0x5a: {  	_ =	shalt  }
0x5b: {  	_ =	shalt  }
0x5c: {  	_ =	shalt  }
0x5d: {  	_ =	shalt  }
0x5e: {  	_ =	shalt  }
0x5f: {  	_ =	shalt  }
0x60: {  	_ =	shalt  }
0x61: {  	_ =	shalt  }
0x62: {  	_ =	shalt  }
0x63: {  	_ =	shalt  }
0x64: {  	_ =	shalt  }
0x65: {  	_ =	shalt  }
0x66: {  	_ =	shalt  }
0x67: {  	_ =	shalt  }
0x68: {  	_ =	shalt  }
0x69: {  	_ =	shalt  }
0x6a: {  	_ =	shalt  }
0x6b: {  	_ =	shalt  }
0x6c: {  	_ =	shalt  }
0x6d: {  	_ =	shalt  }
0x6e: {  	_ =	shalt  }
0x6f: {  	_ =	shalt  }
0x70: {  	_ =	shalt  }
0x71: {  	_ =	shalt  }
0x72: {  	_ =	shalt  }
0x73: {  	_ =	shalt  }
0x74: {  	_ =	shalt  }
0x75: {  	_ =	shalt  }
0x76: {  	_ =	shalt  }
0x77: {  	_ =	shalt  }
0x78: {  	_ =	shalt  }
0x79: {  	_ =	shalt  }
0x7a: {  	_ =	shalt  }
0x7b: {  	_ =	shalt  }
0x7c: {  	_ =	shalt  }
0x7d: {  	_ =	shalt  }
0x7e: {  	_ =	shalt  }
0x7f: {  	_ =	shalt  }
0x80: {  	_ =	shalt  }
0x81: {  	_ =	shalt  }
0x82: {  	_ =	shalt  }
0x83: {  	_ =	shalt  }
0x84: {  	_ =	shalt  }
0x85: {  	_ =	shalt  }
0x86: {  	_ =	shalt  }
0x87: {  	_ =	shalt  }
.Lfunc_end0:
.L_simem_size_0:
called_computation.3_lowered:
.L_overlay_start_0:
0x88: {  	s2 =	sld [smem:$0x3FD9]  }
0x89: {  	s3 =	sld [smem:$0x3FFE];
	_ =	sdelay $0x1  }
0x8a: {  	s1 =	srdreg.scid  }
0x8b: {  	s0 =	sand.u32 $0x1, s1  }
0x8c: {  	s17 =	sshll.u32 s0, $0xA;
	s2 =	sadd.s32 s3, s2  }
0x8d: {  	s2 =	sadd.s32 s2, s17  }
0x8e: {  	[smem:$0x3FC0] =	sst s2  }
0x8f: {  	_ = 	snop  }
0x90: {  	s2 =	sld [smem:$0x3FD0];
	(tm) =	ssettm $0x1  }
0x91: {  	s18 =	sld [smem:$0x3FFB];
	_ =	sdelay $0x3  }
0x92: {  	_ =	strace s18  }
0x93: {  	s3 =	sld [smem:$0x3FFC];
	_ =	sdelay $0x3  }
0x94: {  	_ =	strace s3  }
0x95: {  	s3 =	sld [smem:$0x3FFD];
	_ =	sdelay $0x3  }
0x96: {  	_ =	strace s3  }
0x97: {  	_ =	strace $0x8FFFFFFF  }
0x98: {  	s19 =	sld [smem:$0x3FDB];
	_ =	sdelay $0x1  }
0x99: {  	s4 =	simm.s32 $_scs_section_size  }
0x9a: {  	s5 =	simm.s32 $_size__tile_overlayer_lowered;
	s6 =	simm.s32 $_tile_overlayer_lowered  }
0x9b: {  	s22 =	simm.s32 $0x1BFF;
	s21 =	sshll.u32 s6, $0x1;
	s3 =	sadd.s32 s4, s19  }
0x9c: {  	s7 =	simm.s32 $0x0;
	s20 =	sshll.u32 s5, $0x1;
	s5 =	sadd.s32 s21, s3  }
0x9d: {  	[timem:s7], [sflag:s22] =	dma.local [hbm:s5], s20  }
0x9e: {  	_ =	swait.ge [sflag:s22], s20  }
0x9f: {  	s4 =	ssub.s32 $0x0, s20;
	[sflag:s22] =	ssyncset.done $0x0  }
0xa0: {  	[sflag:s22] =	ssyncadd.s32 s4;
	_ =	sdelay $0x1  }
0xa1: {  	s23 =	simm.s32 $0x1B8B  }
0xa2: {  	_ =	swait.ge [sflag:s23], $0x1  }
0xa3: {  	[sflag:s23] =	ssyncset.done $0x0  }
0xa4: {  	s25 =	simm.s32 $0x1B8E;
	s24 =	sld [smem:$0x3FFE];
	[sflag:s23] =	ssyncadd.s32 $0xFFFFFFFF  }
0xa5: {  	s26 =	simm.s32 $execute0_lowered;
	[smem:$0x3FD2] =	sst s25  }
0xa6: {  	s5 =	sshll.u32 s26, $0x1;
	_ =	strace $0x8000004F;
	[dreg:$0x1] =	wrdreg $0xFFFFFFFF  }
0xa7: {  	s28 =	simm.s32 $_size_execute0_lowered;
	s3 =	sadd.s32 s3, s5;
	[dreg:$0x0] =	wrdreg $0x0  }
0xa8: {  	s5 =	sshll.u32 s28, $0x1;
	[dreg:$0x2] =	wrdreg s3  }
0xa9: {  	[dreg:$0x3] =	wrdreg s5  }
0xaa: {  	[dreg:$0x4] =	wrdreg $0xC0  }
0xab: {  	_ =	task [dreg:s7], $0x5FFFF  }
0xac: {  	[dreg:$0x1] =	wrdreg $0xFFFFFFFF  }
0xad: {  	[dreg:$0x0] =	wrdreg $0x60  }
0xae: {  	[dreg:$0x2] =	wrdreg s24  }
0xaf: {  	[dreg:$0x3] =	wrdreg s2  }
0xb0: {  	[dreg:$0x4] =	wrdreg $0xA8000  }
0xb1: {  	[dreg:$0x5] =	wrdreg $0x9  }
0xb2: {  	_ =	task.clear_ibuf [dreg:s7], $0x6FFFF;
	_ =	strace $0x9000004F  }
0xb3: {  	s29 =	simm.s32 $0x9;
	_ =	strace $0x80000051  }
0xb4: {  	_ =	swait.ge [sflag:s29], $0x1  }
0xb5: {  	[sflag:s29] =	ssyncadd.s32 $0xFFFFFFFF  }
0xb6: {  	_ =	strace $0x90000051  }
0xb7: {  	_ =	sfence  }
0xb8: {  	s30 =	sld [smem:$0x0];
	_ =	sdelay $0x2  }
0xb9: {  	s31 =	sshll.u32 s1, $0xD;
	s1 =	sshrl.u32 s1, $0x2  }
0xba: {  	s3 =	sand.u32 $0x4000, s31;
	s1 =	sadd.s32 s1, s30  }
0xbb: {  	s0 =	sor.u32 s3, s0;
	s1 =	sshll.u32 s1, $0x11  }
0xbc: {  	s0 =	sor.u32 s1, s0  }
0xbd: {  	s0 =	sadd.s32 $0x8F2B, s0  }
0xbe: {  	[sflag:s0] =	ssyncadd.remote.s32 $0x1  }
0xbf: {  	_ =	sfence.sel $0xFFFF  }
0xc0: {  	[dreg:$0x0] =	wrdreg $0xFFFFFFFF;
	(pc) =	sbr.abs _section_cstart, $3  }
0xc1: {  	[dreg:$0x1] =	wrdreg $0xFFFFFFFF  }
0xc2: {  	_ =	task.clear_ibuf [dreg:s7], $0x2FFFF;
	_ =	strace $0x9FFFFFFF  }
0xc3: {  	(tm) =	ssettm $0x7FFFFFFF  }
tec
execute0_lowered:
.L_overlay_start_1:
0x0: {  	(tag) =	ssettag $0x1  }
0x1: {  	s5 =	rddreg [dreg:$0x0]  }
0x2: {  	s1 =	rddreg [dreg:$0x1]  }
0x3: {  	s2 =	rddreg [dreg:$0x2]  }
0x4: {  	s0 =	rddreg [dreg:$0x3];
	s4 =	simm.s32 $0x0;
	s6 =	srdreg.scid  }
0x5: {  	s3 =	stileid.u32;
	s15 =	simm.s32 $0x8000;
	s16 =	simm.s32 $0x1  }
0x6: {  	s17 =	simm.s32 $0x0;
	[smem:$0x7FF] =	sst s4;
	s9 =	smul.u32 $0x2780, s3  }
0x7: {  	s6 =	sand.u32 $0x1, s6;
	s8 =	sshll.u32 s3, $0xB;
	s28 =	smul.u32 $0x4F000, s3  }
0x8: {  	s31 =	sshll.u32 s3, $0x6;
	s7 =	sshll.u32 s6, $0xF;
	_ =	strace $0x80000050  }
0x9: {  	s26 =	smul.u32 $0x27800, s6;
	s6 =	ssub.s32 $0x2, s6;
	s7 =	sor.u32 s8, s7  }
0xa: {  	s11 =	sadd.s32 s9, s5;
	s29 =	sshrl.u32 s6, $0x1;
	s30 =	sshrl.u32 s28, $0x2  }
0xb: {  	s10 =	sadd.s32 s7, s5;
	s8 =	sadd.s32 s9, s26;
	s13 =	ssub.s32 s6, s29  }
0xc: {  	s14 =	sadd.s32 s30, s2;
	s6 =	sor.u32 $0x1C02, s31;
	s12 =	sadd.s32 s8, s5  }
0xd: {  	s5 =	sadd.s32 $0x13400, s11;
	s7 =	sadd.s32 $0x8A200, s10;
	s8 =	sadd.s32 $0x3400, s10  }
0xe: {  	s10 =	smax.u32 s13, $0x1;
	s11 =	sshrl.u32 s14, $0x3;
	s13 =	simm.s32 $0x4000  }
0xf: {  	s14 =	simm.s32 $0x50;
	s9 =	sadd.s32 $0x9A200, s12;
	s12 =	simm.s32 $0x2  }
.LBB2_1:
0x10: {  	[spmem:s11], [sflag:s6] =	dma.local [hbm:s5], $0x2780  }
0x11: {  	_ =	swait.ge [sflag:s12], $0x2780  }
0x12: {  	[sflag:s12] =	ssyncset.done $0x0  }
0x13: {  	[sflag:s12] =	ssyncadd.s32 $0xFFFFD880  }
0x14: {  	[tilespmem:s4], [sflag:$0x2] =	stream.linear.gather [hbm4b:s7+s4], $0x3E80, $0x38;
	[tilespmem:$0x1E400] =	vst v63  }
0x15: {  	_ =	swait.ge [sflag:s12], $0x3E80  }
0x16: {  	[sflag:s12] =	ssyncset.done $0x0  }
0x17: {  	[sflag:s12] =	ssyncadd.s32 $0xFFFFC180  }
0x18: {  	[tilespmem:s13], [sflag:$0x2] =	stream.linear.gather [hbm4b:s8+s4], $0x3E80, $0x38;
	[tilespmem:$0x1E400] =	vst v63  }
0x19: {  	_ =	swait.ge [sflag:s12], $0x3E80  }
0x1a: {  	[sflag:s12] =	ssyncset.done $0x0  }
0x1b: {  	[sflag:s12] =	ssyncadd.s32 $0xFFFFC180  }
0x1c: {  	s18 =	simm.s32 $0x0;
	[bflag:$0x0] =	sbarrier.arrive $0xFFFF  }
0x1d: {  	[tilespmem:s15], [sflag:$0x1] =	stream.indirect.gather [hbm4b:s1+s14], $0x80, s18, s14, $0xb8;
	[tilespmem:$0x1E400] =	vst v63  }
0x1e: {  	_ =	swait.ge [sflag:s16], $0x2800  }
0x1f: {  	[sflag:s16] =	ssyncset.done $0x0  }
0x20: {  	s31 =	simm.s32 $0x4000;
	[sflag:s16] =	ssyncadd.s32 $0xFFFFD800  }
0x21: {  	[spmem:s2] =	stream.indirect.scatter.add.f32 [tilespmem:s15], [sflag:$0x2], $0x80, s31, s14, $0xb8;
	[tilespmem:$0x1E400] =	vst v63  }
0x22: {  	_ =	swait.ge [sflag:s12], $0x2800  }
0x23: {  	s19 =	simm.s32 $0x400;
	s18 =	simm.s32 $0x200;
	[sflag:s12] =	ssyncset.done $0x0  }
.LBB2_2:
0x24: {  	s20 =	sshra.s32 s18, $0x2  }
0x25: {  	[sflag:s12] =	ssyncadd.s32 $0xFFFFD800;
	s18 =	smov.u32 s19;
	s21 =	sadd.s32 $0x200, s19  }
0x26: {  	[tilespmem:s15], [sflag:$0x1] =	stream.indirect.gather [hbm4b:s1+s14], $0x80, s20, s14, $0xb8;
	[tilespmem:$0x1E400] =	vst v63  }
0x27: {  	p0 =	sne.s32 s19, $0xF800;
	_ =	swait.ge [sflag:s16], $0x2800  }
.Ltmp0:
0x28: {  	[sflag:s16] =	ssyncset.done $0x0;
	(pc) =	sbr.rel @p0 .LBB2_2-.Ltmp0, $4  }
0x29: {  	s19 =	sadd.s32 $0x4000, s20;
	[sflag:s16] =	ssyncadd.s32 $0xFFFFD800  }
0x2a: {  	[spmem:s2] =	stream.indirect.scatter.add.f32 [tilespmem:s15], [sflag:$0x2], $0x80, s19, s14, $0xb8;
	[tilespmem:$0x1E400] =	vst v63  }
0x2b: {  	_ =	swait.ge [sflag:s12], $0x2800  }
0x2c: {  	s19 =	smov.u32 s21;
	[sflag:s12] =	ssyncset.done $0x0  }
0x2d: {  	s18 =	sshra.s32 s18, $0x2;
	[sflag:s12] =	ssyncadd.s32 $0xFFFFD800  }
0x2e: {  	[tilespmem:s15], [sflag:$0x1] =	stream.indirect.gather [hbm4b:s1+s14], $0x80, s18, s14, $0xb8;
	[tilespmem:$0x1E400] =	vst v63  }
0x2f: {  	_ =	swait.ge [sflag:s16], $0x2800  }
0x30: {  	[sflag:s16] =	ssyncset.done $0x0  }
0x31: {  	s18 =	sadd.s32 $0x4000, s18;
	[sflag:s16] =	ssyncadd.s32 $0xFFFFD800  }
0x32: {  	[spmem:s2] =	stream.indirect.scatter.add.f32 [tilespmem:s15], [sflag:$0x2], $0x80, s18, s14, $0xb8;
	[tilespmem:$0x1E400] =	vst v63  }
0x33: {  	_ =	swait.ge [sflag:s12], $0x2800  }
0x34: {  	s17 =	sadd.s32 $0x1, s17;
	[sflag:s12] =	ssyncset.done $0x0  }
0x35: {  	p0 =	sne.s32 s17, s10;
	[sflag:s12] =	ssyncadd.s32 $0xFFFFD800  }
.Ltmp1:
0x36: {  	[bflag:$0x0] =	sbarrier.arrive $0xFFFF;
	(pc) =	sbr.rel @p0 .LBB2_1-.Ltmp1, $4  }
0x37: {  	[hbm:s9], [sflag:s6] =	dma.local [spmem:s11], $0x2780  }
0x38: {  	_ =	swait.ge [sflag:s12], $0x2780  }
0x39: {  	[sflag:s12] =	ssyncset.done $0x0  }
0x3a: {  	[sflag:s12] =	ssyncadd.s32 $0xFFFFD880  }
0x3b: {  	_ =	sfence.sel $0x180000  }
0x3c: {  	[bflag:$0x0] =	sbarrier.arrive $0xFFFF  }
0x3d: {  	p0 =	sne.s32 s3, $0x0;
	_ =	strace $0x90000050  }
0x3e: {  	s0 =	sadd.s32 @!p0 $0x100000, s0;
	[bflag:$0x2] =	sbarrier.arrive $0xFFFF  }
0x3f: {  	[sflag:s0] =	ssyncadd.tile.s32 @!p0 $0x1;
	_ =	shalt  }
.Lfunc_end2:
_tile_overlayer_lowered:
.L_overlay_start_2:
0x40: {  	(tag) =	ssettag $0x2  }
0x41: {  	s0 =	rddreg [dreg:$0x0];
	s2 =	stileid.u32  }
0x42: {  	s1 =	rddreg [dreg:$0x1];
	p0 =	sne.s32 s2, $0x0  }
0x43: {  	s3 =	rddreg [dreg:$0x2];
	[bflag:$0x3] =	sbarrier.arrive $0xFFFF;
	s2 =	simm.s32 @!p0 $0x1C02  }
0x44: {  	[timem:s3], [sflag:s2] =	dma.local @!p0 [hbm:s0], s1  }
0x45: {  	s0 =	simm.s32 @!p0 $0x2  }
0x46: {  	_ =	swait.ge @!p0 [sflag:s0], s1  }
0x47: {  	s1 =	ssub.s32 @!p0 $0x0, s1;
	[sflag:s0] =	ssyncset.done @!p0 $0x0  }
0x48: {  	[sflag:s0] =	ssyncadd.s32 @!p0 s1  }
0x49: {  	[bflag:$0x3] =	sbarrier.arrive $0xFFFF  }
0x4a: {  	_ =	shalt  }

</sc_bundles>
